<compile_context>
chip_gen: v7x
topology: tpu7x:2x2x1
jax: 0.10.2.dev20260603
libtpu: 0.0.44.dev20260713+nightly
codegen_flags: <defaults>
</compile_context>

<pallas_src>
import functools

import jax
import jax.numpy as jnp
from jax import lax
from jax.experimental import pallas as pl
from jax.experimental.pallas import tpu as pltpu
from jax.experimental.pallas import tpu_sc as plsc

N = 10000
E = 160000
D = 256
DH = 128
NC = 2
NS = 16
K = 80
EPW = E // NS
NCHUNK = EPW // K
RPS = 632
RLAST = N - (NS - 1) * RPS
CROW = 80

_sc_mesh = plsc.VectorSubcoreMesh(
    core_axis_name="c", subcore_axis_name="s", num_cores=NC, num_subcores=NS
)


@functools.partial(
    pl.kernel,
    out_type=(
        jax.ShapeDtypeStruct((N, DH), jnp.float32),
        jax.ShapeDtypeStruct((N, DH), jnp.float32),
        jax.ShapeDtypeStruct((NS, CROW, DH), jnp.float32),
    ),
    mesh=_sc_mesh,
    scratch_types=[
        pltpu.VMEM((NCHUNK, K), jnp.int32),
        pltpu.VMEM((NCHUNK, K), jnp.int32),
        pltpu.VMEM((K, DH), jnp.float32),
        pltpu.VMEM((K, DH), jnp.float32),
        pltpu.VMEM((CROW, DH), jnp.float32),
        pltpu.VMEM_SHARED((N, DH), jnp.float32),
        pltpu.SemaphoreType.DMA,
        pltpu.SemaphoreType.DMA,
        pltpu.SemaphoreType.DMA,
    ],
    compiler_params=pltpu.CompilerParams(use_tc_tiling_on_sc=False, needs_layout_passes=False),
)
def _sc_aggregate(x0, x1, colsrc, rows2d, zeros,
                  outa, outb, cnts,
                  colv, rowv, g0, g1, cntloc, acc, s0, s1, s2):
    c = lax.axis_index("c")
    s = lax.axis_index("s")

    @pl.when(s < NS - 1)
    def _():
        pltpu.sync_copy(zeros, acc.at[pl.ds(s * RPS, RPS)])

    @pl.when(s == NS - 1)
    def _():
        pltpu.sync_copy(zeros.at[pl.ds(0, RLAST)],
                        acc.at[pl.ds((NS - 1) * RPS, RLAST)])

    pltpu.sync_copy(zeros.at[pl.ds(0, CROW)], cntloc)
    pltpu.sync_copy(colsrc.at[s], colv)
    pltpu.sync_copy(rows2d.at[s], rowv)
    plsc.subcore_barrier()

    ones16 = jnp.full((16,), 1.0, jnp.float32)

    def fire(i, buf, sem, xtab):
        pltpu.async_copy(xtab.at[colv.at[i]], buf, sem)

    def fire2(i, buf, sem):
        @pl.when(c == 0)
        def _():
            fire(i, buf, sem, x0)

        @pl.when(c == 1)
        def _():
            fire(i, buf, sem, x1)

    def count(i):
        for j in range(K // 16):
            r16 = rowv[i, pl.ds(j * 16, 16)]
            hi = lax.shift_right_logical(r16, 7)
            lo = lax.bitwise_and(r16, 127)
            plsc.addupdate_scatter(cntloc, [hi, lo], ones16)

    def drain_scatter(i, buf, sem):
        pltpu.make_async_copy(x0.at[colv.at[i]], buf, sem).wait()
        pltpu.async_copy(buf, acc.at[rowv.at[i]], s2, add=True)

        @pl.when(c == 0)
        def _():
            count(i)
        pltpu.make_async_copy(buf, acc.at[rowv.at[i]], s2).wait()

    fire2(0, g0, s0)

    def step(i, carry):
        @pl.when(i % 2 == 0)
        def _():
            @pl.when(i + 1 < NCHUNK)
            def _():
                fire2(i + 1, g1, s1)
            drain_scatter(i, g0, s0)

        @pl.when(i % 2 == 1)
        def _():
            @pl.when(i + 1 < NCHUNK)
            def _():
                fire2(i + 1, g0, s0)
            drain_scatter(i, g1, s1)

        return carry

    lax.fori_loop(0, NCHUNK, step, 0)
    plsc.subcore_barrier()

    def write_out(dst):
        @pl.when(s < NS - 1)
        def _():
            sl = pl.ds(s * RPS, RPS)
            pltpu.sync_copy(acc.at[sl], dst.at[sl])

        @pl.when(s == NS - 1)
        def _():
            sl = pl.ds((NS - 1) * RPS, RLAST)
            pltpu.sync_copy(acc.at[sl], dst.at[sl])

    @pl.when(c == 0)
    def _():
        write_out(outa)
        pltpu.sync_copy(cntloc, cnts.at[s])

    @pl.when(c == 1)
    def _():
        write_out(outb)


R = 1024
NB = (N + R - 1) // R


def _tc_mlp(o0, o1, cb, w1t, b1, w2t, b2, out):
    inv = 1.0 / jnp.maximum(cb[...], 1.0)
    invc = jnp.transpose(inv, (1, 0))
    a0 = o0[...] * invc
    a1 = o1[...] * invc
    h = jnp.dot(a0, w1t[:DH, :], preferred_element_type=jnp.float32)
    h = h + jnp.dot(a1, w1t[DH:, :], preferred_element_type=jnp.float32)
    h = jnp.maximum(h + b1[...], 0.0)
    out[...] = jnp.dot(h, w2t[...], preferred_element_type=jnp.float32) + b2[...]


_tc_call = pl.pallas_call(
    _tc_mlp,
    grid=(NB,),
    in_specs=[
        pl.BlockSpec((R, DH), lambda i: (i, 0)),
        pl.BlockSpec((R, DH), lambda i: (i, 0)),
        pl.BlockSpec((1, R), lambda i: (0, i)),
        pl.BlockSpec((D, D), lambda i: (0, 0)),
        pl.BlockSpec((1, D), lambda i: (0, 0)),
        pl.BlockSpec((D, D), lambda i: (0, 0)),
        pl.BlockSpec((1, D), lambda i: (0, 0)),
    ],
    out_specs=pl.BlockSpec((R, D), lambda i: (i, 0)),
    out_shape=jax.ShapeDtypeStruct((N, D), jnp.float32),
)


def kernel(x, edge_index, W1, b1, W2, b2):
    row = edge_index[0].astype(jnp.int32)
    col = edge_index[1].astype(jnp.int32)

    x0 = x[:, :DH]
    x1 = x[:, DH:]
    colsrc = col.reshape(NS, NCHUNK, K)
    rows2d = row.reshape(NS, NCHUNK, K)
    zeros = jnp.zeros((RPS, DH), x.dtype)

    outa, outb, cnts = _sc_aggregate(x0, x1, colsrc, rows2d, zeros)
    cnt2 = cnts.sum(axis=0).reshape(1, CROW * DH)
    return _tc_call(outa, outb, cnt2,
                    W1.T, b1.reshape(1, D), W2.T, b2.reshape(1, D))

# --- scband reference (transcript-rebuilt; emitter-appended) ---
"""Pipeline reference for scband-community-propagate-44659069944139 (READ-ONLY COPY).

The authoritative reference and input builder live on the scoring server;
editing this copy changes nothing except your own understanding.
"""

import jax, jax.numpy as jnp
import numpy as np

N_NODES = 10000
N_EDGES = 160000
DIM = 256


def setup_inputs(seed: int = 0) -> dict:
    key = jax.random.key(seed)
    k_x, k_e, k_w1, k_b1, k_w2, k_b2 = jax.random.split(key, 6)
    x = jax.random.normal(k_x, (N_NODES, DIM), dtype=jnp.float32)
    edge_index = jax.random.randint(k_e, (2, N_EDGES), 0, N_NODES, dtype=jnp.int64)
    # torch.nn.Linear default init: U(-1/sqrt(fan_in), 1/sqrt(fan_in)), weight [out, in]
    bound = 1.0 / np.sqrt(DIM)
    W1 = jax.random.uniform(k_w1, (DIM, DIM), minval=-bound, maxval=bound, dtype=jnp.float32)
    b1 = jax.random.uniform(k_b1, (DIM,), minval=-bound, maxval=bound, dtype=jnp.float32)
    W2 = jax.random.uniform(k_w2, (DIM, DIM), minval=-bound, maxval=bound, dtype=jnp.float32)
    b2 = jax.random.uniform(k_b2, (DIM,), minval=-bound, maxval=bound, dtype=jnp.float32)
    return {"x": x, "edge_index": edge_index, "W1": W1, "b1": b1, "W2": W2, "b2": b2}


def reference(x, edge_index, W1, b1, W2, b2):
    row = edge_index[0]
    col = edge_index[1]
    # scatter_mean(x[col], row, dim=0, dim_size=N)
    gathered = jnp.take(x, col, axis=0)  # [E, D] gather
    summed = jax.ops.segment_sum(gathered, row, num_segments=N_NODES)  # [N, D] scatter-add
    counts = jax.ops.segment_sum(jnp.ones((gathered.shape[0],), dtype=x.dtype), row, num_segments=N_NODES)
    agg = summed / jnp.maximum(counts, 1.0)[:, None]
    # MLP: Linear -> ReLU -> Linear (torch Linear computes y = x @ W.T + b)
    h = jnp.maximum(agg @ W1.T + b1, 0.0)
    out = h @ W2.T + b2
    return out

if __name__ == "__main__":
    import jax
    _d = setup_inputs()
    print(jax.jit(kernel)(*tuple(_d.values())))

</pallas_src>

<mosaic_0001>
#map = affine_map<(d0, d1) -> (0, 0)>
#map1 = affine_map<(d0, d1) -> (0, 0, 0)>
module attributes {stable_mosaic.version = 14 : i64} {
  func.func @_sc_aggregate(%arg0: i32, %arg1: i32, %arg2: memref<10000x128xf32, #tpu.memory_space<hbm>>, %arg3: memref<10000x128xf32, #tpu.memory_space<hbm>>, %arg4: memref<16x125x80xi32, #tpu.memory_space<hbm>>, %arg5: memref<16x125x80xi32, #tpu.memory_space<hbm>>, %arg6: memref<632x128xf32, #tpu.memory_space<hbm>>, %arg7: memref<10000x128xf32, #tpu.memory_space<hbm>>, %arg8: memref<10000x128xf32, #tpu.memory_space<hbm>>, %arg9: memref<16x80x128xf32, #tpu.memory_space<hbm>>, %arg10: memref<125x80xi32, #tpu.memory_space<vmem>>, %arg11: memref<125x80xi32, #tpu.memory_space<vmem>>, %arg12: memref<80x128xf32, #tpu.memory_space<vmem>>, %arg13: memref<80x128xf32, #tpu.memory_space<vmem>>, %arg14: memref<80x128xf32, #tpu.memory_space<vmem>>, %arg15: memref<10000x128xf32, #tpu.memory_space<vmem_shared>>, %arg16: memref<!tpu.dma_semaphore, #tpu.memory_space<semaphore_mem>>, %arg17: memref<!tpu.dma_semaphore, #tpu.memory_space<semaphore_mem>>, %arg18: memref<!tpu.dma_semaphore, #tpu.memory_space<semaphore_mem>>) attributes {dimension_semantics = [#tpu.dimension_semantics<core_parallel>, #tpu.dimension_semantics<subcore_parallel>], iteration_bounds = array<i64: 2, 16>, scalar_prefetch = 0 : i64, scratch_operands = 9 : i64, tpu.core_type = #tpu.core_type<sc_vector_subcore>, window_params = [{transform_indices = #map}, {transform_indices = #map}, {transform_indices = #map1}, {transform_indices = #map1}, {transform_indices = #map}, {transform_indices = #map}, {transform_indices = #map}, {transform_indices = #map1}]} {
    %lt3A = arith.constant 15 : i32
    %lt3A_0 = arith.cmpi slt, %arg1, %lt3A : i32
    %convert_element_type3A = arith.extui %lt3A_0 : i1 to i32
    %cond3A = arith.constant 0 : i32
    %cond3A_1 = arith.cmpi ne, %convert_element_type3A, %cond3A : i32
    scf.if %cond3A_1 {
      %mul3A = arith.constant 632 : i32
      %mul3A_33 = arith.muli %arg1, %mul3A : i32
      "tpu.region"() ({
        %run_scoped3A = tpu.sem_alloc : memref<!tpu.dma_semaphore, #tpu.memory_space<semaphore_mem>>
        %dma_start3A = arith.constant 0 : i32
        %dma_start3A_34 = tpu.memref_slice %arg15[%mul3A_33, %dma_start3A] : memref<10000x128xf32, #tpu.memory_space<vmem_shared>> -> memref<632x128xf32, #tpu.memory_space<vmem_shared>>
        tpu.enqueue_dma source(%arg6 : memref<632x128xf32, #tpu.memory_space<hbm>>) target(%dma_start3A_34 : memref<632x128xf32, #tpu.memory_space<vmem_shared>>) target_semaphore(%run_scoped3A : memref<!tpu.dma_semaphore, #tpu.memory_space<semaphore_mem>>)
        %dma_wait3A = arith.constant 0 : i32
        %dma_wait3A_35 = tpu.memref_slice %arg15[%mul3A_33, %dma_wait3A] : memref<10000x128xf32, #tpu.memory_space<vmem_shared>> -> memref<632x128xf32, #tpu.memory_space<vmem_shared>>
        tpu.wait_dma2 semaphore(%run_scoped3A : memref<!tpu.dma_semaphore, #tpu.memory_space<semaphore_mem>>) src(%arg6 : memref<632x128xf32, #tpu.memory_space<hbm>>) dst(%dma_wait3A_35 : memref<632x128xf32, #tpu.memory_space<vmem_shared>>)
        tpu.yield
      }) : () -> ()
    } else {
    }
    %eq3A = arith.constant 15 : i32
    %eq3A_2 = arith.cmpi eq, %arg1, %eq3A : i32
    %convert_element_type3A_3 = arith.extui %eq3A_2 : i1 to i32
    %cond3A_4 = arith.constant 0 : i32
    %cond3A_5 = arith.cmpi ne, %convert_element_type3A_3, %cond3A_4 : i32
    scf.if %cond3A_5 {
      "tpu.region"() ({
        %run_scoped3A = tpu.sem_alloc : memref<!tpu.dma_semaphore, #tpu.memory_space<semaphore_mem>>
        %dma_start3A = arith.constant 9480 : i32
        %dma_start3A_33 = arith.constant 0 : i32
        %dma_start3A_34 = tpu.memref_slice %arg15[%dma_start3A, %dma_start3A_33] : memref<10000x128xf32, #tpu.memory_space<vmem_shared>> -> memref<520x128xf32, #tpu.memory_space<vmem_shared>>
        %dma_start3A_35 = arith.constant 0 : i32
        %dma_start3A_36 = arith.constant 0 : i32
        %dma_start3A_37 = tpu.memref_slice %arg6[%dma_start3A_35, %dma_start3A_36] : memref<632x128xf32, #tpu.memory_space<hbm>> -> memref<520x128xf32, #tpu.memory_space<hbm>>
        tpu.enqueue_dma source(%dma_start3A_37 : memref<520x128xf32, #tpu.memory_space<hbm>>) target(%dma_start3A_34 : memref<520x128xf32, #tpu.memory_space<vmem_shared>>) target_semaphore(%run_scoped3A : memref<!tpu.dma_semaphore, #tpu.memory_space<semaphore_mem>>)
        %dma_wait3A = arith.constant 9480 : i32
        %dma_wait3A_38 = arith.constant 0 : i32
        %dma_wait3A_39 = tpu.memref_slice %arg15[%dma_wait3A, %dma_wait3A_38] : memref<10000x128xf32, #tpu.memory_space<vmem_shared>> -> memref<520x128xf32, #tpu.memory_space<vmem_shared>>
        %dma_wait3A_40 = arith.constant 0 : i32
        %dma_wait3A_41 = arith.constant 0 : i32
        %dma_wait3A_42 = tpu.memref_slice %arg6[%dma_wait3A_40, %dma_wait3A_41] : memref<632x128xf32, #tpu.memory_space<hbm>> -> memref<520x128xf32, #tpu.memory_space<hbm>>
        tpu.wait_dma2 semaphore(%run_scoped3A : memref<!tpu.dma_semaphore, #tpu.memory_space<semaphore_mem>>) src(%dma_wait3A_42 : memref<520x128xf32, #tpu.memory_space<hbm>>) dst(%dma_wait3A_39 : memref<520x128xf32, #tpu.memory_space<vmem_shared>>)
        tpu.yield
      }) : () -> ()
    } else {
    }
    "tpu.region"() ({
      %run_scoped3A = tpu.sem_alloc : memref<!tpu.dma_semaphore, #tpu.memory_space<semaphore_mem>>
      %dma_start3A = arith.constant 0 : i32
      %dma_start3A_33 = arith.constant 0 : i32
      %dma_start3A_34 = tpu.memref_slice %arg6[%dma_start3A, %dma_start3A_33] : memref<632x128xf32, #tpu.memory_space<hbm>> -> memref<80x128xf32, #tpu.memory_space<hbm>>
      %dma_start3A_35 = arith.constant 0 : i32
      %dma_start3A_36 = arith.constant 0 : i32
      %dma_start3A_37 = tpu.memref_slice %arg6[%dma_start3A_35, %dma_start3A_36] : memref<632x128xf32, #tpu.memory_space<hbm>> -> memref<80x128xf32, #tpu.memory_space<hbm>>
      tpu.enqueue_dma source(%dma_start3A_37 : memref<80x128xf32, #tpu.memory_space<hbm>>) target(%arg14 : memref<80x128xf32, #tpu.memory_space<vmem>>) target_semaphore(%run_scoped3A : memref<!tpu.dma_semaphore, #tpu.memory_space<semaphore_mem>>)
      %dma_wait3A = arith.constant 0 : i32
      %dma_wait3A_38 = arith.constant 0 : i32
      %dma_wait3A_39 = tpu.memref_slice %arg6[%dma_wait3A, %dma_wait3A_38] : memref<632x128xf32, #tpu.memory_space<hbm>> -> memref<80x128xf32, #tpu.memory_space<hbm>>
      %dma_wait3A_40 = arith.constant 0 : i32
      %dma_wait3A_41 = arith.constant 0 : i32
      %dma_wait3A_42 = tpu.memref_slice %arg6[%dma_wait3A_40, %dma_wait3A_41] : memref<632x128xf32, #tpu.memory_space<hbm>> -> memref<80x128xf32, #tpu.memory_space<hbm>>
      tpu.wait_dma2 semaphore(%run_scoped3A : memref<!tpu.dma_semaphore, #tpu.memory_space<semaphore_mem>>) src(%dma_wait3A_42 : memref<80x128xf32, #tpu.memory_space<hbm>>) dst(%arg14 : memref<80x128xf32, #tpu.memory_space<vmem>>)
      tpu.yield
    }) : () -> ()
    "tpu.region"() ({
      %run_scoped3A = tpu.sem_alloc : memref<!tpu.dma_semaphore, #tpu.memory_space<semaphore_mem>>
      %dma_start3A = arith.constant 0 : i32
      %dma_start3A_33 = arith.constant 0 : i32
      %dma_start3A_34 = tpu.memref_slice %arg4[%arg1, %dma_start3A, %dma_start3A_33] : memref<16x125x80xi32, #tpu.memory_space<hbm>> -> memref<1x125x80xi32, #tpu.memory_space<hbm>>
      %dma_start3A_35 = tpu.memref_squeeze %dma_start3A_34 : memref<1x125x80xi32, #tpu.memory_space<hbm>> -> memref<125x80xi32, #tpu.memory_space<hbm>>
      %dma_start3A_36 = arith.constant 0 : i32
      %dma_start3A_37 = arith.constant 0 : i32
      %dma_start3A_38 = tpu.memref_slice %arg4[%arg1, %dma_start3A_36, %dma_start3A_37] : memref<16x125x80xi32, #tpu.memory_space<hbm>> -> memref<1x125x80xi32, #tpu.memory_space<hbm>>
      %dma_start3A_39 = tpu.memref_squeeze %dma_start3A_38 : memref<1x125x80xi32, #tpu.memory_space<hbm>> -> memref<125x80xi32, #tpu.memory_space<hbm>>
      tpu.enqueue_dma source(%dma_start3A_39 : memref<125x80xi32, #tpu.memory_space<hbm>>) target(%arg10 : memref<125x80xi32, #tpu.memory_space<vmem>>) target_semaphore(%run_scoped3A : memref<!tpu.dma_semaphore, #tpu.memory_space<semaphore_mem>>)
      %dma_wait3A = arith.constant 0 : i32
      %dma_wait3A_40 = arith.constant 0 : i32
      %dma_wait3A_41 = tpu.memref_slice %arg4[%arg1, %dma_wait3A, %dma_wait3A_40] : memref<16x125x80xi32, #tpu.memory_space<hbm>> -> memref<1x125x80xi32, #tpu.memory_space<hbm>>
      %dma_wait3A_42 = tpu.memref_squeeze %dma_wait3A_41 : memref<1x125x80xi32, #tpu.memory_space<hbm>> -> memref<125x80xi32, #tpu.memory_space<hbm>>
      %dma_wait3A_43 = arith.constant 0 : i32
      %dma_wait3A_44 = arith.constant 0 : i32
      %dma_wait3A_45 = tpu.memref_slice %arg4[%arg1, %dma_wait3A_43, %dma_wait3A_44] : memref<16x125x80xi32, #tpu.memory_space<hbm>> -> memref<1x125x80xi32, #tpu.memory_space<hbm>>
      %dma_wait3A_46 = tpu.memref_squeeze %dma_wait3A_45 : memref<1x125x80xi32, #tpu.memory_space<hbm>> -> memref<125x80xi32, #tpu.memory_space<hbm>>
      tpu.wait_dma2 semaphore(%run_scoped3A : memref<!tpu.dma_semaphore, #tpu.memory_space<semaphore_mem>>) src(%dma_wait3A_46 : memref<125x80xi32, #tpu.memory_space<hbm>>) dst(%arg10 : memref<125x80xi32, #tpu.memory_space<vmem>>)
      tpu.yield
    }) : () -> ()
    "tpu.region"() ({
      %run_scoped3A = tpu.sem_alloc : memref<!tpu.dma_semaphore, #tpu.memory_space<semaphore_mem>>
      %dma_start3A = arith.constant 0 : i32
      %dma_start3A_33 = arith.constant 0 : i32
      %dma_start3A_34 = tpu.memref_slice %arg5[%arg1, %dma_start3A, %dma_start3A_33] : memref<16x125x80xi32, #tpu.memory_space<hbm>> -> memref<1x125x80xi32, #tpu.memory_space<hbm>>
      %dma_start3A_35 = tpu.memref_squeeze %dma_start3A_34 : memref<1x125x80xi32, #tpu.memory_space<hbm>> -> memref<125x80xi32, #tpu.memory_space<hbm>>
      %dma_start3A_36 = arith.constant 0 : i32
      %dma_start3A_37 = arith.constant 0 : i32
      %dma_start3A_38 = tpu.memref_slice %arg5[%arg1, %dma_start3A_36, %dma_start3A_37] : memref<16x125x80xi32, #tpu.memory_space<hbm>> -> memref<1x125x80xi32, #tpu.memory_space<hbm>>
      %dma_start3A_39 = tpu.memref_squeeze %dma_start3A_38 : memref<1x125x80xi32, #tpu.memory_space<hbm>> -> memref<125x80xi32, #tpu.memory_space<hbm>>
      tpu.enqueue_dma source(%dma_start3A_39 : memref<125x80xi32, #tpu.memory_space<hbm>>) target(%arg11 : memref<125x80xi32, #tpu.memory_space<vmem>>) target_semaphore(%run_scoped3A : memref<!tpu.dma_semaphore, #tpu.memory_space<semaphore_mem>>)
      %dma_wait3A = arith.constant 0 : i32
      %dma_wait3A_40 = arith.constant 0 : i32
      %dma_wait3A_41 = tpu.memref_slice %arg5[%arg1, %dma_wait3A, %dma_wait3A_40] : memref<16x125x80xi32, #tpu.memory_space<hbm>> -> memref<1x125x80xi32, #tpu.memory_space<hbm>>
      %dma_wait3A_42 = tpu.memref_squeeze %dma_wait3A_41 : memref<1x125x80xi32, #tpu.memory_space<hbm>> -> memref<125x80xi32, #tpu.memory_space<hbm>>
      %dma_wait3A_43 = arith.constant 0 : i32
      %dma_wait3A_44 = arith.constant 0 : i32
      %dma_wait3A_45 = tpu.memref_slice %arg5[%arg1, %dma_wait3A_43, %dma_wait3A_44] : memref<16x125x80xi32, #tpu.memory_space<hbm>> -> memref<1x125x80xi32, #tpu.memory_space<hbm>>
      %dma_wait3A_46 = tpu.memref_squeeze %dma_wait3A_45 : memref<1x125x80xi32, #tpu.memory_space<hbm>> -> memref<125x80xi32, #tpu.memory_space<hbm>>
      tpu.wait_dma2 semaphore(%run_scoped3A : memref<!tpu.dma_semaphore, #tpu.memory_space<semaphore_mem>>) src(%dma_wait3A_46 : memref<125x80xi32, #tpu.memory_space<hbm>>) dst(%arg11 : memref<125x80xi32, #tpu.memory_space<vmem>>)
      tpu.yield
    }) : () -> ()
    %barrier3A = arith.constant 0 : index
    tpu.barrier barrier_id(%barrier3A)
    %broadcast_in_dim3A = arith.constant 1.000000e+00 : f32
    %broadcast_in_dim3A_6 = vector.broadcast %broadcast_in_dim3A : f32 to vector<16xf32>
    %eq3A_7 = arith.constant 0 : i32
    %eq3A_8 = arith.cmpi eq, %arg0, %eq3A_7 : i32
    %convert_element_type3A_9 = arith.extui %eq3A_8 : i1 to i32
    %cond3A_10 = arith.constant 0 : i32
    %cond3A_11 = arith.cmpi ne, %convert_element_type3A_9, %cond3A_10 : i32
    scf.if %cond3A_11 {
      %dma_start3A = arith.constant 0 : i32
      %dma_start3A_33 = arith.constant 0 : i32
      %dma_start3A_34 = tpu.memref_slice %arg10[%dma_start3A, %dma_start3A_33] : memref<125x80xi32, #tpu.memory_space<vmem>> -> memref<1x80xi32, #tpu.memory_space<vmem>>
      %dma_start3A_35 = tpu.memref_squeeze %dma_start3A_34 : memref<1x80xi32, #tpu.memory_space<vmem>> -> memref<80xi32, #tpu.memory_space<vmem>>
      %dma_start3A_36 = arith.constant 0 : i32
      %dma_start3A_37 = arith.constant 0 : i32
      %dma_start3A_38 = tpu.memref_slice %arg2[%dma_start3A_36, %dma_start3A_37] : memref<10000x128xf32, #tpu.memory_space<hbm>> -> memref<10000x128xf32, #tpu.memory_space<hbm>>
      tpu.enqueue_indirect_dma source(%dma_start3A_38 : memref<10000x128xf32, #tpu.memory_space<hbm>>) target(%arg12 : memref<80x128xf32, #tpu.memory_space<vmem>>) offsets(%dma_start3A_35 : memref<80xi32, #tpu.memory_space<vmem>>) semaphore(%arg16 : memref<!tpu.dma_semaphore, #tpu.memory_space<semaphore_mem>>)
    } else {
    }
    %eq3A_12 = arith.constant 1 : i32
    %eq3A_13 = arith.cmpi eq, %arg0, %eq3A_12 : i32
    %convert_element_type3A_14 = arith.extui %eq3A_13 : i1 to i32
    %cond3A_15 = arith.constant 0 : i32
    %cond3A_16 = arith.cmpi ne, %convert_element_type3A_14, %cond3A_15 : i32
    scf.if %cond3A_16 {
      %dma_start3A = arith.constant 0 : i32
      %dma_start3A_33 = arith.constant 0 : i32
      %dma_start3A_34 = tpu.memref_slice %arg10[%dma_start3A, %dma_start3A_33] : memref<125x80xi32, #tpu.memory_space<vmem>> -> memref<1x80xi32, #tpu.memory_space<vmem>>
      %dma_start3A_35 = tpu.memref_squeeze %dma_start3A_34 : memref<1x80xi32, #tpu.memory_space<vmem>> -> memref<80xi32, #tpu.memory_space<vmem>>
      %dma_start3A_36 = arith.constant 0 : i32
      %dma_start3A_37 = arith.constant 0 : i32
      %dma_start3A_38 = tpu.memref_slice %arg3[%dma_start3A_36, %dma_start3A_37] : memref<10000x128xf32, #tpu.memory_space<hbm>> -> memref<10000x128xf32, #tpu.memory_space<hbm>>
      tpu.enqueue_indirect_dma source(%dma_start3A_38 : memref<10000x128xf32, #tpu.memory_space<hbm>>) target(%arg12 : memref<80x128xf32, #tpu.memory_space<vmem>>) offsets(%dma_start3A_35 : memref<80xi32, #tpu.memory_space<vmem>>) semaphore(%arg16 : memref<!tpu.dma_semaphore, #tpu.memory_space<semaphore_mem>>)
    } else {
    }
    %scan3A = arith.constant 0 : i32
    %scan3A_17 = arith.constant 0 : i32
    %scan3A_18 = arith.constant 125 : i32
    %scan3A_19 = arith.addi %scan3A_17, %scan3A_18 : i32
    %scan3A_20 = arith.constant 1 : i32
    scf.for %scan3A_33 = %scan3A_17 to %scan3A_19 step %scan3A_20  : i32 {
      %jit3A = arith.constant 2 : i32
      %eq3A_34 = arith.constant 0 : i32
      %eq3A_35 = arith.cmpi eq, %jit3A, %eq3A_34 : i32
      %jit3A_36 = arith.constant 1 : i32
      %select_n3A = arith.select %eq3A_35, %jit3A_36, %jit3A : i32
      %rem3A = arith.remsi %scan3A_33, %select_n3A : i32
      %ne3A = arith.constant 0 : i32
      %ne3A_37 = arith.cmpi ne, %rem3A, %ne3A : i32
      %lt3A_38 = arith.constant 0 : i32
      %lt3A_39 = arith.cmpi slt, %rem3A, %lt3A_38 : i32
      %lt3A_40 = arith.constant 0 : i32
      %lt3A_41 = arith.cmpi slt, %select_n3A, %lt3A_40 : i32
      %ne3A_42 = arith.xori %lt3A_39, %lt3A_41 : i1
      %and3A = arith.andi %ne3A_42, %ne3A_37 : i1
      %add3A = arith.addi %rem3A, %select_n3A : i32
      %select_n3A_43 = arith.select %and3A, %add3A, %rem3A : i32
      %eq3A_44 = arith.constant 0 : i32
      %eq3A_45 = arith.cmpi eq, %select_n3A_43, %eq3A_44 : i32
      %convert_element_type3A_46 = arith.extui %eq3A_45 : i1 to i32
      %cond3A_47 = arith.constant 0 : i32
      %cond3A_48 = arith.cmpi ne, %convert_element_type3A_46, %cond3A_47 : i32
      scf.if %cond3A_48 {
        %add3A_70 = arith.constant 1 : i32
        %add3A_71 = arith.addi %scan3A_33, %add3A_70 : i32
        %lt3A_72 = arith.constant 125 : i32
        %lt3A_73 = arith.cmpi slt, %add3A_71, %lt3A_72 : i32
        %convert_element_type3A_74 = arith.extui %lt3A_73 : i1 to i32
        %cond3A_75 = arith.constant 0 : i32
        %cond3A_76 = arith.cmpi ne, %convert_element_type3A_74, %cond3A_75 : i32
        scf.if %cond3A_76 {
          %add3A_98 = arith.constant 1 : i32
          %add3A_99 = arith.addi %scan3A_33, %add3A_98 : i32
          %eq3A_100 = arith.constant 0 : i32
          %eq3A_101 = arith.cmpi eq, %arg0, %eq3A_100 : i32
          %convert_element_type3A_102 = arith.extui %eq3A_101 : i1 to i32
          %cond3A_103 = arith.constant 0 : i32
          %cond3A_104 = arith.cmpi ne, %convert_element_type3A_102, %cond3A_103 : i32
          scf.if %cond3A_104 {
            %dma_start3A_110 = arith.constant 0 : i32
            %dma_start3A_111 = tpu.memref_slice %arg10[%add3A_99, %dma_start3A_110] : memref<125x80xi32, #tpu.memory_space<vmem>> -> memref<1x80xi32, #tpu.memory_space<vmem>>
            %dma_start3A_112 = tpu.memref_squeeze %dma_start3A_111 : memref<1x80xi32, #tpu.memory_space<vmem>> -> memref<80xi32, #tpu.memory_space<vmem>>
            %dma_start3A_113 = arith.constant 0 : i32
            %dma_start3A_114 = arith.constant 0 : i32
            %dma_start3A_115 = tpu.memref_slice %arg2[%dma_start3A_113, %dma_start3A_114] : memref<10000x128xf32, #tpu.memory_space<hbm>> -> memref<10000x128xf32, #tpu.memory_space<hbm>>
            tpu.enqueue_indirect_dma source(%dma_start3A_115 : memref<10000x128xf32, #tpu.memory_space<hbm>>) target(%arg13 : memref<80x128xf32, #tpu.memory_space<vmem>>) offsets(%dma_start3A_112 : memref<80xi32, #tpu.memory_space<vmem>>) semaphore(%arg17 : memref<!tpu.dma_semaphore, #tpu.memory_space<semaphore_mem>>)
          } else {
          }
          %eq3A_105 = arith.constant 1 : i32
          %eq3A_106 = arith.cmpi eq, %arg0, %eq3A_105 : i32
          %convert_element_type3A_107 = arith.extui %eq3A_106 : i1 to i32
          %cond3A_108 = arith.constant 0 : i32
          %cond3A_109 = arith.cmpi ne, %convert_element_type3A_107, %cond3A_108 : i32
          scf.if %cond3A_109 {
            %dma_start3A_110 = arith.constant 0 : i32
            %dma_start3A_111 = tpu.memref_slice %arg10[%add3A_99, %dma_start3A_110] : memref<125x80xi32, #tpu.memory_space<vmem>> -> memref<1x80xi32, #tpu.memory_space<vmem>>
            %dma_start3A_112 = tpu.memref_squeeze %dma_start3A_111 : memref<1x80xi32, #tpu.memory_space<vmem>> -> memref<80xi32, #tpu.memory_space<vmem>>
            %dma_start3A_113 = arith.constant 0 : i32
            %dma_start3A_114 = arith.constant 0 : i32
            %dma_start3A_115 = tpu.memref_slice %arg3[%dma_start3A_113, %dma_start3A_114] : memref<10000x128xf32, #tpu.memory_space<hbm>> -> memref<10000x128xf32, #tpu.memory_space<hbm>>
            tpu.enqueue_indirect_dma source(%dma_start3A_115 : memref<10000x128xf32, #tpu.memory_space<hbm>>) target(%arg13 : memref<80x128xf32, #tpu.memory_space<vmem>>) offsets(%dma_start3A_112 : memref<80xi32, #tpu.memory_space<vmem>>) semaphore(%arg17 : memref<!tpu.dma_semaphore, #tpu.memory_space<semaphore_mem>>)
          } else {
          }
        } else {
        }
        %dma_wait3A = arith.constant 0 : i32
        %dma_wait3A_77 = tpu.memref_slice %arg10[%scan3A_33, %dma_wait3A] : memref<125x80xi32, #tpu.memory_space<vmem>> -> memref<1x80xi32, #tpu.memory_space<vmem>>
        %dma_wait3A_78 = tpu.memref_squeeze %dma_wait3A_77 : memref<1x80xi32, #tpu.memory_space<vmem>> -> memref<80xi32, #tpu.memory_space<vmem>>
        %dma_wait3A_79 = arith.constant 0 : i32
        %dma_wait3A_80 = arith.constant 0 : i32
        %dma_wait3A_81 = tpu.memref_slice %arg2[%dma_wait3A_79, %dma_wait3A_80] : memref<10000x128xf32, #tpu.memory_space<hbm>> -> memref<10000x128xf32, #tpu.memory_space<hbm>>
        tpu.wait_indirect_dma semaphore(%arg16 : memref<!tpu.dma_semaphore, #tpu.memory_space<semaphore_mem>>) src(%dma_wait3A_81 : memref<10000x128xf32, #tpu.memory_space<hbm>>) dst(%arg12 : memref<80x128xf32, #tpu.memory_space<vmem>>)
        %dma_start3A = arith.constant 0 : i32
        %dma_start3A_82 = tpu.memref_slice %arg11[%scan3A_33, %dma_start3A] : memref<125x80xi32, #tpu.memory_space<vmem>> -> memref<1x80xi32, #tpu.memory_space<vmem>>
        %dma_start3A_83 = tpu.memref_squeeze %dma_start3A_82 : memref<1x80xi32, #tpu.memory_space<vmem>> -> memref<80xi32, #tpu.memory_space<vmem>>
        %dma_start3A_84 = arith.constant 0 : i32
        %dma_start3A_85 = arith.constant 0 : i32
        %dma_start3A_86 = tpu.memref_slice %arg15[%dma_start3A_84, %dma_start3A_85] : memref<10000x128xf32, #tpu.memory_space<vmem_shared>> -> memref<10000x128xf32, #tpu.memory_space<vmem_shared>>
        tpu.enqueue_indirect_dma source(%arg12 : memref<80x128xf32, #tpu.memory_space<vmem>>) target(%dma_start3A_86 : memref<10000x128xf32, #tpu.memory_space<vmem_shared>>) offsets(%dma_start3A_83 : memref<80xi32, #tpu.memory_space<vmem>>) semaphore(%arg18 : memref<!tpu.dma_semaphore, #tpu.memory_space<semaphore_mem>>) {add = true}
        %eq3A_87 = arith.constant 0 : i32
        %eq3A_88 = arith.cmpi eq, %arg0, %eq3A_87 : i32
        %convert_element_type3A_89 = arith.extui %eq3A_88 : i1 to i32
        %cond3A_90 = arith.constant 0 : i32
        %cond3A_91 = arith.cmpi ne, %convert_element_type3A_89, %cond3A_90 : i32
        scf.if %cond3A_91 {
          %get3A = arith.index_cast %scan3A_33 : i32 to index
          %get3A_98 = arith.constant 0 : index
          %get3A_99 = tpu.vector_load %arg11[%get3A, %get3A_98] {strides = array<i32>} : memref<125x80xi32, #tpu.memory_space<vmem>>, vector<16xi32>,
          %shift_right_logical3A = arith.constant 7 : i32
          %shift_right_logical3A_100 = vector.broadcast %shift_right_logical3A : i32 to vector<16xi32>
          %shift_right_logical3A_101 = arith.shrui %get3A_99, %shift_right_logical3A_100 : vector<16xi32>
          %and3A_102 = arith.constant 127 : i32
          %and3A_103 = vector.broadcast %and3A_102 : i32 to vector<16xi32>
          %and3A_104 = arith.andi %get3A_99, %and3A_103 : vector<16xi32>
          tpu.vector_store_idx %arg14[%shift_right_logical3A_101, %and3A_104], %broadcast_in_dim3A_6 {add = true} : memref<80x128xf32, #tpu.memory_space<vmem>>[vector<16xi32>, vector<16xi32>], vector<16xf32>,
          %get3A_105 = arith.index_cast %scan3A_33 : i32 to index
          %get3A_106 = arith.constant 16 : index
          %get3A_107 = tpu.vector_load %arg11[%get3A_105, %get3A_106] {strides = array<i32>} : memref<125x80xi32, #tpu.memory_space<vmem>>, vector<16xi32>,
          %shift_right_logical3A_108 = arith.constant 7 : i32
          %shift_right_logical3A_109 = vector.broadcast %shift_right_logical3A_108 : i32 to vector<16xi32>
          %shift_right_logical3A_110 = arith.shrui %get3A_107, %shift_right_logical3A_109 : vector<16xi32>
          %and3A_111 = arith.constant 127 : i32
          %and3A_112 = vector.broadcast %and3A_111 : i32 to vector<16xi32>
          %and3A_113 = arith.andi %get3A_107, %and3A_112 : vector<16xi32>
          tpu.vector_store_idx %arg14[%shift_right_logical3A_110, %and3A_113], %broadcast_in_dim3A_6 {add = true} : memref<80x128xf32, #tpu.memory_space<vmem>>[vector<16xi32>, vector<16xi32>], vector<16xf32>,
          %get3A_114 = arith.index_cast %scan3A_33 : i32 to index
          %get3A_115 = arith.constant 32 : index
          %get3A_116 = tpu.vector_load %arg11[%get3A_114, %get3A_115] {strides = array<i32>} : memref<125x80xi32, #tpu.memory_space<vmem>>, vector<16xi32>,
          %shift_right_logical3A_117 = arith.constant 7 : i32
          %shift_right_logical3A_118 = vector.broadcast %shift_right_logical3A_117 : i32 to vector<16xi32>
          %shift_right_logical3A_119 = arith.shrui %get3A_116, %shift_right_logical3A_118 : vector<16xi32>
          %and3A_120 = arith.constant 127 : i32
          %and3A_121 = vector.broadcast %and3A_120 : i32 to vector<16xi32>
          %and3A_122 = arith.andi %get3A_116, %and3A_121 : vector<16xi32>
          tpu.vector_store_idx %arg14[%shift_right_logical3A_119, %and3A_122], %broadcast_in_dim3A_6 {add = true} : memref<80x128xf32, #tpu.memory_space<vmem>>[vector<16xi32>, vector<16xi32>], vector<16xf32>,
          %get3A_123 = arith.index_cast %scan3A_33 : i32 to index
          %get3A_124 = arith.constant 48 : index
          %get3A_125 = tpu.vector_load %arg11[%get3A_123, %get3A_124] {strides = array<i32>} : memref<125x80xi32, #tpu.memory_space<vmem>>, vector<16xi32>,
          %shift_right_logical3A_126 = arith.constant 7 : i32
          %shift_right_logical3A_127 = vector.broadcast %shift_right_logical3A_126 : i32 to vector<16xi32>
          %shift_right_logical3A_128 = arith.shrui %get3A_125, %shift_right_logical3A_127 : vector<16xi32>
          %and3A_129 = arith.constant 127 : i32
          %and3A_130 = vector.broadcast %and3A_129 : i32 to vector<16xi32>
          %and3A_131 = arith.andi %get3A_125, %and3A_130 : vector<16xi32>
          tpu.vector_store_idx %arg14[%shift_right_logical3A_128, %and3A_131], %broadcast_in_dim3A_6 {add = true} : memref<80x128xf32, #tpu.memory_space<vmem>>[vector<16xi32>, vector<16xi32>], vector<16xf32>,
          %get3A_132 = arith.index_cast %scan3A_33 : i32 to index
          %get3A_133 = arith.constant 64 : index
          %get3A_134 = tpu.vector_load %arg11[%get3A_132, %get3A_133] {strides = array<i32>} : memref<125x80xi32, #tpu.memory_space<vmem>>, vector<16xi32>,
          %shift_right_logical3A_135 = arith.constant 7 : i32
          %shift_right_logical3A_136 = vector.broadcast %shift_right_logical3A_135 : i32 to vector<16xi32>
          %shift_right_logical3A_137 = arith.shrui %get3A_134, %shift_right_logical3A_136 : vector<16xi32>
          %and3A_138 = arith.constant 127 : i32
          %and3A_139 = vector.broadcast %and3A_138 : i32 to vector<16xi32>
          %and3A_140 = arith.andi %get3A_134, %and3A_139 : vector<16xi32>
          tpu.vector_store_idx %arg14[%shift_right_logical3A_137, %and3A_140], %broadcast_in_dim3A_6 {add = true} : memref<80x128xf32, #tpu.memory_space<vmem>>[vector<16xi32>, vector<16xi32>], vector<16xf32>,
        } else {
        }
        %dma_wait3A_92 = arith.constant 0 : i32
        %dma_wait3A_93 = tpu.memref_slice %arg11[%scan3A_33, %dma_wait3A_92] : memref<125x80xi32, #tpu.memory_space<vmem>> -> memref<1x80xi32, #tpu.memory_space<vmem>>
        %dma_wait3A_94 = tpu.memref_squeeze %dma_wait3A_93 : memref<1x80xi32, #tpu.memory_space<vmem>> -> memref<80xi32, #tpu.memory_space<vmem>>
        %dma_wait3A_95 = arith.constant 0 : i32
        %dma_wait3A_96 = arith.constant 0 : i32
        %dma_wait3A_97 = tpu.memref_slice %arg15[%dma_wait3A_95, %dma_wait3A_96] : memref<10000x128xf32, #tpu.memory_space<vmem_shared>> -> memref<10000x128xf32, #tpu.memory_space<vmem_shared>>
        tpu.wait_indirect_dma semaphore(%arg18 : memref<!tpu.dma_semaphore, #tpu.memory_space<semaphore_mem>>) src(%arg12 : memref<80x128xf32, #tpu.memory_space<vmem>>) dst(%dma_wait3A_97 : memref<10000x128xf32, #tpu.memory_space<vmem_shared>>)
      } else {
      }
      %jit3A_49 = arith.constant 2 : i32
      %eq3A_50 = arith.constant 0 : i32
      %eq3A_51 = arith.cmpi eq, %jit3A_49, %eq3A_50 : i32
      %jit3A_52 = arith.constant 1 : i32
      %select_n3A_53 = arith.select %eq3A_51, %jit3A_52, %jit3A_49 : i32
      %rem3A_54 = arith.remsi %scan3A_33, %select_n3A_53 : i32
      %ne3A_55 = arith.constant 0 : i32
      %ne3A_56 = arith.cmpi ne, %rem3A_54, %ne3A_55 : i32
      %lt3A_57 = arith.constant 0 : i32
      %lt3A_58 = arith.cmpi slt, %rem3A_54, %lt3A_57 : i32
      %lt3A_59 = arith.constant 0 : i32
      %lt3A_60 = arith.cmpi slt, %select_n3A_53, %lt3A_59 : i32
      %ne3A_61 = arith.xori %lt3A_58, %lt3A_60 : i1
      %and3A_62 = arith.andi %ne3A_61, %ne3A_56 : i1
      %add3A_63 = arith.addi %rem3A_54, %select_n3A_53 : i32
      %select_n3A_64 = arith.select %and3A_62, %add3A_63, %rem3A_54 : i32
      %eq3A_65 = arith.constant 1 : i32
      %eq3A_66 = arith.cmpi eq, %select_n3A_64, %eq3A_65 : i32
      %convert_element_type3A_67 = arith.extui %eq3A_66 : i1 to i32
      %cond3A_68 = arith.constant 0 : i32
      %cond3A_69 = arith.cmpi ne, %convert_element_type3A_67, %cond3A_68 : i32
      scf.if %cond3A_69 {
        %add3A_70 = arith.constant 1 : i32
        %add3A_71 = arith.addi %scan3A_33, %add3A_70 : i32
        %lt3A_72 = arith.constant 125 : i32
        %lt3A_73 = arith.cmpi slt, %add3A_71, %lt3A_72 : i32
        %convert_element_type3A_74 = arith.extui %lt3A_73 : i1 to i32
        %cond3A_75 = arith.constant 0 : i32
        %cond3A_76 = arith.cmpi ne, %convert_element_type3A_74, %cond3A_75 : i32
        scf.if %cond3A_76 {
          %add3A_98 = arith.constant 1 : i32
          %add3A_99 = arith.addi %scan3A_33, %add3A_98 : i32
          %eq3A_100 = arith.constant 0 : i32
          %eq3A_101 = arith.cmpi eq, %arg0, %eq3A_100 : i32
          %convert_element_type3A_102 = arith.extui %eq3A_101 : i1 to i32
          %cond3A_103 = arith.constant 0 : i32
          %cond3A_104 = arith.cmpi ne, %convert_element_type3A_102, %cond3A_103 : i32
          scf.if %cond3A_104 {
            %dma_start3A_110 = arith.constant 0 : i32
            %dma_start3A_111 = tpu.memref_slice %arg10[%add3A_99, %dma_start3A_110] : memref<125x80xi32, #tpu.memory_space<vmem>> -> memref<1x80xi32, #tpu.memory_space<vmem>>
            %dma_start3A_112 = tpu.memref_squeeze %dma_start3A_111 : memref<1x80xi32, #tpu.memory_space<vmem>> -> memref<80xi32, #tpu.memory_space<vmem>>
            %dma_start3A_113 = arith.constant 0 : i32
            %dma_start3A_114 = arith.constant 0 : i32
            %dma_start3A_115 = tpu.memref_slice %arg2[%dma_start3A_113, %dma_start3A_114] : memref<10000x128xf32, #tpu.memory_space<hbm>> -> memref<10000x128xf32, #tpu.memory_space<hbm>>
            tpu.enqueue_indirect_dma source(%dma_start3A_115 : memref<10000x128xf32, #tpu.memory_space<hbm>>) target(%arg12 : memref<80x128xf32, #tpu.memory_space<vmem>>) offsets(%dma_start3A_112 : memref<80xi32, #tpu.memory_space<vmem>>) semaphore(%arg16 : memref<!tpu.dma_semaphore, #tpu.memory_space<semaphore_mem>>)
          } else {
          }
          %eq3A_105 = arith.constant 1 : i32
          %eq3A_106 = arith.cmpi eq, %arg0, %eq3A_105 : i32
          %convert_element_type3A_107 = arith.extui %eq3A_106 : i1 to i32
          %cond3A_108 = arith.constant 0 : i32
          %cond3A_109 = arith.cmpi ne, %convert_element_type3A_107, %cond3A_108 : i32
          scf.if %cond3A_109 {
            %dma_start3A_110 = arith.constant 0 : i32
            %dma_start3A_111 = tpu.memref_slice %arg10[%add3A_99, %dma_start3A_110] : memref<125x80xi32, #tpu.memory_space<vmem>> -> memref<1x80xi32, #tpu.memory_space<vmem>>
            %dma_start3A_112 = tpu.memref_squeeze %dma_start3A_111 : memref<1x80xi32, #tpu.memory_space<vmem>> -> memref<80xi32, #tpu.memory_space<vmem>>
            %dma_start3A_113 = arith.constant 0 : i32
            %dma_start3A_114 = arith.constant 0 : i32
            %dma_start3A_115 = tpu.memref_slice %arg3[%dma_start3A_113, %dma_start3A_114] : memref<10000x128xf32, #tpu.memory_space<hbm>> -> memref<10000x128xf32, #tpu.memory_space<hbm>>
            tpu.enqueue_indirect_dma source(%dma_start3A_115 : memref<10000x128xf32, #tpu.memory_space<hbm>>) target(%arg12 : memref<80x128xf32, #tpu.memory_space<vmem>>) offsets(%dma_start3A_112 : memref<80xi32, #tpu.memory_space<vmem>>) semaphore(%arg16 : memref<!tpu.dma_semaphore, #tpu.memory_space<semaphore_mem>>)
          } else {
          }
        } else {
        }
        %dma_wait3A = arith.constant 0 : i32
        %dma_wait3A_77 = tpu.memref_slice %arg10[%scan3A_33, %dma_wait3A] : memref<125x80xi32, #tpu.memory_space<vmem>> -> memref<1x80xi32, #tpu.memory_space<vmem>>
        %dma_wait3A_78 = tpu.memref_squeeze %dma_wait3A_77 : memref<1x80xi32, #tpu.memory_space<vmem>> -> memref<80xi32, #tpu.memory_space<vmem>>
        %dma_wait3A_79 = arith.constant 0 : i32
        %dma_wait3A_80 = arith.constant 0 : i32
        %dma_wait3A_81 = tpu.memref_slice %arg2[%dma_wait3A_79, %dma_wait3A_80] : memref<10000x128xf32, #tpu.memory_space<hbm>> -> memref<10000x128xf32, #tpu.memory_space<hbm>>
        tpu.wait_indirect_dma semaphore(%arg17 : memref<!tpu.dma_semaphore, #tpu.memory_space<semaphore_mem>>) src(%dma_wait3A_81 : memref<10000x128xf32, #tpu.memory_space<hbm>>) dst(%arg13 : memref<80x128xf32, #tpu.memory_space<vmem>>)
        %dma_start3A = arith.constant 0 : i32
        %dma_start3A_82 = tpu.memref_slice %arg11[%scan3A_33, %dma_start3A] : memref<125x80xi32, #tpu.memory_space<vmem>> -> memref<1x80xi32, #tpu.memory_space<vmem>>
        %dma_start3A_83 = tpu.memref_squeeze %dma_start3A_82 : memref<1x80xi32, #tpu.memory_space<vmem>> -> memref<80xi32, #tpu.memory_space<vmem>>
        %dma_start3A_84 = arith.constant 0 : i32
        %dma_start3A_85 = arith.constant 0 : i32
        %dma_start3A_86 = tpu.memref_slice %arg15[%dma_start3A_84, %dma_start3A_85] : memref<10000x128xf32, #tpu.memory_space<vmem_shared>> -> memref<10000x128xf32, #tpu.memory_space<vmem_shared>>
        tpu.enqueue_indirect_dma source(%arg13 : memref<80x128xf32, #tpu.memory_space<vmem>>) target(%dma_start3A_86 : memref<10000x128xf32, #tpu.memory_space<vmem_shared>>) offsets(%dma_start3A_83 : memref<80xi32, #tpu.memory_space<vmem>>) semaphore(%arg18 : memref<!tpu.dma_semaphore, #tpu.memory_space<semaphore_mem>>) {add = true}
        %eq3A_87 = arith.constant 0 : i32
        %eq3A_88 = arith.cmpi eq, %arg0, %eq3A_87 : i32
        %convert_element_type3A_89 = arith.extui %eq3A_88 : i1 to i32
        %cond3A_90 = arith.constant 0 : i32
        %cond3A_91 = arith.cmpi ne, %convert_element_type3A_89, %cond3A_90 : i32
        scf.if %cond3A_91 {
          %get3A = arith.index_cast %scan3A_33 : i32 to index
          %get3A_98 = arith.constant 0 : index
          %get3A_99 = tpu.vector_load %arg11[%get3A, %get3A_98] {strides = array<i32>} : memref<125x80xi32, #tpu.memory_space<vmem>>, vector<16xi32>,
          %shift_right_logical3A = arith.constant 7 : i32
          %shift_right_logical3A_100 = vector.broadcast %shift_right_logical3A : i32 to vector<16xi32>
          %shift_right_logical3A_101 = arith.shrui %get3A_99, %shift_right_logical3A_100 : vector<16xi32>
          %and3A_102 = arith.constant 127 : i32
          %and3A_103 = vector.broadcast %and3A_102 : i32 to vector<16xi32>
          %and3A_104 = arith.andi %get3A_99, %and3A_103 : vector<16xi32>
          tpu.vector_store_idx %arg14[%shift_right_logical3A_101, %and3A_104], %broadcast_in_dim3A_6 {add = true} : memref<80x128xf32, #tpu.memory_space<vmem>>[vector<16xi32>, vector<16xi32>], vector<16xf32>,
          %get3A_105 = arith.index_cast %scan3A_33 : i32 to index
          %get3A_106 = arith.constant 16 : index
          %get3A_107 = tpu.vector_load %arg11[%get3A_105, %get3A_106] {strides = array<i32>} : memref<125x80xi32, #tpu.memory_space<vmem>>, vector<16xi32>,
          %shift_right_logical3A_108 = arith.constant 7 : i32
          %shift_right_logical3A_109 = vector.broadcast %shift_right_logical3A_108 : i32 to vector<16xi32>
          %shift_right_logical3A_110 = arith.shrui %get3A_107, %shift_right_logical3A_109 : vector<16xi32>
          %and3A_111 = arith.constant 127 : i32
          %and3A_112 = vector.broadcast %and3A_111 : i32 to vector<16xi32>
          %and3A_113 = arith.andi %get3A_107, %and3A_112 : vector<16xi32>
          tpu.vector_store_idx %arg14[%shift_right_logical3A_110, %and3A_113], %broadcast_in_dim3A_6 {add = true} : memref<80x128xf32, #tpu.memory_space<vmem>>[vector<16xi32>, vector<16xi32>], vector<16xf32>,
          %get3A_114 = arith.index_cast %scan3A_33 : i32 to index
          %get3A_115 = arith.constant 32 : index
          %get3A_116 = tpu.vector_load %arg11[%get3A_114, %get3A_115] {strides = array<i32>} : memref<125x80xi32, #tpu.memory_space<vmem>>, vector<16xi32>,
          %shift_right_logical3A_117 = arith.constant 7 : i32
          %shift_right_logical3A_118 = vector.broadcast %shift_right_logical3A_117 : i32 to vector<16xi32>
          %shift_right_logical3A_119 = arith.shrui %get3A_116, %shift_right_logical3A_118 : vector<16xi32>
          %and3A_120 = arith.constant 127 : i32
          %and3A_121 = vector.broadcast %and3A_120 : i32 to vector<16xi32>
          %and3A_122 = arith.andi %get3A_116, %and3A_121 : vector<16xi32>
          tpu.vector_store_idx %arg14[%shift_right_logical3A_119, %and3A_122], %broadcast_in_dim3A_6 {add = true} : memref<80x128xf32, #tpu.memory_space<vmem>>[vector<16xi32>, vector<16xi32>], vector<16xf32>,
          %get3A_123 = arith.index_cast %scan3A_33 : i32 to index
          %get3A_124 = arith.constant 48 : index
          %get3A_125 = tpu.vector_load %arg11[%get3A_123, %get3A_124] {strides = array<i32>} : memref<125x80xi32, #tpu.memory_space<vmem>>, vector<16xi32>,
          %shift_right_logical3A_126 = arith.constant 7 : i32
          %shift_right_logical3A_127 = vector.broadcast %shift_right_logical3A_126 : i32 to vector<16xi32>
          %shift_right_logical3A_128 = arith.shrui %get3A_125, %shift_right_logical3A_127 : vector<16xi32>
          %and3A_129 = arith.constant 127 : i32
          %and3A_130 = vector.broadcast %and3A_129 : i32 to vector<16xi32>
          %and3A_131 = arith.andi %get3A_125, %and3A_130 : vector<16xi32>
          tpu.vector_store_idx %arg14[%shift_right_logical3A_128, %and3A_131], %broadcast_in_dim3A_6 {add = true} : memref<80x128xf32, #tpu.memory_space<vmem>>[vector<16xi32>, vector<16xi32>], vector<16xf32>,
          %get3A_132 = arith.index_cast %scan3A_33 : i32 to index
          %get3A_133 = arith.constant 64 : index
          %get3A_134 = tpu.vector_load %arg11[%get3A_132, %get3A_133] {strides = array<i32>} : memref<125x80xi32, #tpu.memory_space<vmem>>, vector<16xi32>,
          %shift_right_logical3A_135 = arith.constant 7 : i32
          %shift_right_logical3A_136 = vector.broadcast %shift_right_logical3A_135 : i32 to vector<16xi32>
          %shift_right_logical3A_137 = arith.shrui %get3A_134, %shift_right_logical3A_136 : vector<16xi32>
          %and3A_138 = arith.constant 127 : i32
          %and3A_139 = vector.broadcast %and3A_138 : i32 to vector<16xi32>
          %and3A_140 = arith.andi %get3A_134, %and3A_139 : vector<16xi32>
          tpu.vector_store_idx %arg14[%shift_right_logical3A_137, %and3A_140], %broadcast_in_dim3A_6 {add = true} : memref<80x128xf32, #tpu.memory_space<vmem>>[vector<16xi32>, vector<16xi32>], vector<16xf32>,
        } else {
        }
        %dma_wait3A_92 = arith.constant 0 : i32
        %dma_wait3A_93 = tpu.memref_slice %arg11[%scan3A_33, %dma_wait3A_92] : memref<125x80xi32, #tpu.memory_space<vmem>> -> memref<1x80xi32, #tpu.memory_space<vmem>>
        %dma_wait3A_94 = tpu.memref_squeeze %dma_wait3A_93 : memref<1x80xi32, #tpu.memory_space<vmem>> -> memref<80xi32, #tpu.memory_space<vmem>>
        %dma_wait3A_95 = arith.constant 0 : i32
        %dma_wait3A_96 = arith.constant 0 : i32
        %dma_wait3A_97 = tpu.memref_slice %arg15[%dma_wait3A_95, %dma_wait3A_96] : memref<10000x128xf32, #tpu.memory_space<vmem_shared>> -> memref<10000x128xf32, #tpu.memory_space<vmem_shared>>
        tpu.wait_indirect_dma semaphore(%arg18 : memref<!tpu.dma_semaphore, #tpu.memory_space<semaphore_mem>>) src(%arg13 : memref<80x128xf32, #tpu.memory_space<vmem>>) dst(%dma_wait3A_97 : memref<10000x128xf32, #tpu.memory_space<vmem_shared>>)
      } else {
      }
    }
    %scan3A_21 = arith.constant 125 : i32
    %barrier3A_22 = arith.constant 0 : index
    tpu.barrier barrier_id(%barrier3A_22)
    %eq3A_23 = arith.constant 0 : i32
    %eq3A_24 = arith.cmpi eq, %arg0, %eq3A_23 : i32
    %convert_element_type3A_25 = arith.extui %eq3A_24 : i1 to i32
    %cond3A_26 = arith.constant 0 : i32
    %cond3A_27 = arith.cmpi ne, %convert_element_type3A_25, %cond3A_26 : i32
    scf.if %cond3A_27 {
      %lt3A_33 = arith.constant 15 : i32
      %lt3A_34 = arith.cmpi slt, %arg1, %lt3A_33 : i32
      %convert_element_type3A_35 = arith.extui %lt3A_34 : i1 to i32
      %cond3A_36 = arith.constant 0 : i32
      %cond3A_37 = arith.cmpi ne, %convert_element_type3A_35, %cond3A_36 : i32
      scf.if %cond3A_37 {
        %mul3A = arith.constant 632 : i32
        %mul3A_43 = arith.muli %arg1, %mul3A : i32
        "tpu.region"() ({
          %run_scoped3A = tpu.sem_alloc : memref<!tpu.dma_semaphore, #tpu.memory_space<semaphore_mem>>
          %dma_start3A = arith.constant 0 : i32
          %dma_start3A_44 = tpu.memref_slice %arg7[%mul3A_43, %dma_start3A] : memref<10000x128xf32, #tpu.memory_space<hbm>> -> memref<632x128xf32, #tpu.memory_space<hbm>>
          %dma_start3A_45 = arith.constant 0 : i32
          %dma_start3A_46 = tpu.memref_slice %arg15[%mul3A_43, %dma_start3A_45] : memref<10000x128xf32, #tpu.memory_space<vmem_shared>> -> memref<632x128xf32, #tpu.memory_space<vmem_shared>>
          tpu.enqueue_dma source(%dma_start3A_46 : memref<632x128xf32, #tpu.memory_space<vmem_shared>>) target(%dma_start3A_44 : memref<632x128xf32, #tpu.memory_space<hbm>>) target_semaphore(%run_scoped3A : memref<!tpu.dma_semaphore, #tpu.memory_space<semaphore_mem>>)
          %dma_wait3A = arith.constant 0 : i32
          %dma_wait3A_47 = tpu.memref_slice %arg7[%mul3A_43, %dma_wait3A] : memref<10000x128xf32, #tpu.memory_space<hbm>> -> memref<632x128xf32, #tpu.memory_space<hbm>>
          %dma_wait3A_48 = arith.constant 0 : i32
          %dma_wait3A_49 = tpu.memref_slice %arg15[%mul3A_43, %dma_wait3A_48] : memref<10000x128xf32, #tpu.memory_space<vmem_shared>> -> memref<632x128xf32, #tpu.memory_space<vmem_shared>>
          tpu.wait_dma2 semaphore(%run_scoped3A : memref<!tpu.dma_semaphore, #tpu.memory_space<semaphore_mem>>) src(%dma_wait3A_49 : memref<632x128xf32, #tpu.memory_space<vmem_shared>>) dst(%dma_wait3A_47 : memref<632x128xf32, #tpu.memory_space<hbm>>)
          tpu.yield
        }) : () -> ()
      } else {
      }
      %eq3A_38 = arith.constant 15 : i32
      %eq3A_39 = arith.cmpi eq, %arg1, %eq3A_38 : i32
      %convert_element_type3A_40 = arith.extui %eq3A_39 : i1 to i32
      %cond3A_41 = arith.constant 0 : i32
      %cond3A_42 = arith.cmpi ne, %convert_element_type3A_40, %cond3A_41 : i32
      scf.if %cond3A_42 {
        "tpu.region"() ({
          %run_scoped3A = tpu.sem_alloc : memref<!tpu.dma_semaphore, #tpu.memory_space<semaphore_mem>>
          %dma_start3A = arith.constant 9480 : i32
          %dma_start3A_43 = arith.constant 0 : i32
          %dma_start3A_44 = tpu.memref_slice %arg7[%dma_start3A, %dma_start3A_43] : memref<10000x128xf32, #tpu.memory_space<hbm>> -> memref<520x128xf32, #tpu.memory_space<hbm>>
          %dma_start3A_45 = arith.constant 9480 : i32
          %dma_start3A_46 = arith.constant 0 : i32
          %dma_start3A_47 = tpu.memref_slice %arg15[%dma_start3A_45, %dma_start3A_46] : memref<10000x128xf32, #tpu.memory_space<vmem_shared>> -> memref<520x128xf32, #tpu.memory_space<vmem_shared>>
          tpu.enqueue_dma source(%dma_start3A_47 : memref<520x128xf32, #tpu.memory_space<vmem_shared>>) target(%dma_start3A_44 : memref<520x128xf32, #tpu.memory_space<hbm>>) target_semaphore(%run_scoped3A : memref<!tpu.dma_semaphore, #tpu.memory_space<semaphore_mem>>)
          %dma_wait3A = arith.constant 9480 : i32
          %dma_wait3A_48 = arith.constant 0 : i32
          %dma_wait3A_49 = tpu.memref_slice %arg7[%dma_wait3A, %dma_wait3A_48] : memref<10000x128xf32, #tpu.memory_space<hbm>> -> memref<520x128xf32, #tpu.memory_space<hbm>>
          %dma_wait3A_50 = arith.constant 9480 : i32
          %dma_wait3A_51 = arith.constant 0 : i32
          %dma_wait3A_52 = tpu.memref_slice %arg15[%dma_wait3A_50, %dma_wait3A_51] : memref<10000x128xf32, #tpu.memory_space<vmem_shared>> -> memref<520x128xf32, #tpu.memory_space<vmem_shared>>
          tpu.wait_dma2 semaphore(%run_scoped3A : memref<!tpu.dma_semaphore, #tpu.memory_space<semaphore_mem>>) src(%dma_wait3A_52 : memref<520x128xf32, #tpu.memory_space<vmem_shared>>) dst(%dma_wait3A_49 : memref<520x128xf32, #tpu.memory_space<hbm>>)
          tpu.yield
        }) : () -> ()
      } else {
      }
      "tpu.region"() ({
        %run_scoped3A = tpu.sem_alloc : memref<!tpu.dma_semaphore, #tpu.memory_space<semaphore_mem>>
        %dma_start3A = arith.constant 0 : i32
        %dma_start3A_43 = arith.constant 0 : i32
        %dma_start3A_44 = tpu.memref_slice %arg9[%arg1, %dma_start3A, %dma_start3A_43] : memref<16x80x128xf32, #tpu.memory_space<hbm>> -> memref<1x80x128xf32, #tpu.memory_space<hbm>>
        %dma_start3A_45 = tpu.memref_squeeze %dma_start3A_44 : memref<1x80x128xf32, #tpu.memory_space<hbm>> -> memref<80x128xf32, #tpu.memory_space<hbm>>
        %dma_start3A_46 = arith.constant 0 : i32
        %dma_start3A_47 = arith.constant 0 : i32
        %dma_start3A_48 = tpu.memref_slice %arg9[%arg1, %dma_start3A_46, %dma_start3A_47] : memref<16x80x128xf32, #tpu.memory_space<hbm>> -> memref<1x80x128xf32, #tpu.memory_space<hbm>>
        %dma_start3A_49 = tpu.memref_squeeze %dma_start3A_48 : memref<1x80x128xf32, #tpu.memory_space<hbm>> -> memref<80x128xf32, #tpu.memory_space<hbm>>
        tpu.enqueue_dma source(%arg14 : memref<80x128xf32, #tpu.memory_space<vmem>>) target(%dma_start3A_49 : memref<80x128xf32, #tpu.memory_space<hbm>>) target_semaphore(%run_scoped3A : memref<!tpu.dma_semaphore, #tpu.memory_space<semaphore_mem>>)
        %dma_wait3A = arith.constant 0 : i32
        %dma_wait3A_50 = arith.constant 0 : i32
        %dma_wait3A_51 = tpu.memref_slice %arg9[%arg1, %dma_wait3A, %dma_wait3A_50] : memref<16x80x128xf32, #tpu.memory_space<hbm>> -> memref<1x80x128xf32, #tpu.memory_space<hbm>>
        %dma_wait3A_52 = tpu.memref_squeeze %dma_wait3A_51 : memref<1x80x128xf32, #tpu.memory_space<hbm>> -> memref<80x128xf32, #tpu.memory_space<hbm>>
        %dma_wait3A_53 = arith.constant 0 : i32
        %dma_wait3A_54 = arith.constant 0 : i32
        %dma_wait3A_55 = tpu.memref_slice %arg9[%arg1, %dma_wait3A_53, %dma_wait3A_54] : memref<16x80x128xf32, #tpu.memory_space<hbm>> -> memref<1x80x128xf32, #tpu.memory_space<hbm>>
        %dma_wait3A_56 = tpu.memref_squeeze %dma_wait3A_55 : memref<1x80x128xf32, #tpu.memory_space<hbm>> -> memref<80x128xf32, #tpu.memory_space<hbm>>
        tpu.wait_dma2 semaphore(%run_scoped3A : memref<!tpu.dma_semaphore, #tpu.memory_space<semaphore_mem>>) src(%arg14 : memref<80x128xf32, #tpu.memory_space<vmem>>) dst(%dma_wait3A_56 : memref<80x128xf32, #tpu.memory_space<hbm>>)
        tpu.yield
      }) : () -> ()
    } else {
    }
    %eq3A_28 = arith.constant 1 : i32
    %eq3A_29 = arith.cmpi eq, %arg0, %eq3A_28 : i32
    %convert_element_type3A_30 = arith.extui %eq3A_29 : i1 to i32
    %cond3A_31 = arith.constant 0 : i32
    %cond3A_32 = arith.cmpi ne, %convert_element_type3A_30, %cond3A_31 : i32
    scf.if %cond3A_32 {
      %lt3A_33 = arith.constant 15 : i32
      %lt3A_34 = arith.cmpi slt, %arg1, %lt3A_33 : i32
      %convert_element_type3A_35 = arith.extui %lt3A_34 : i1 to i32
      %cond3A_36 = arith.constant 0 : i32
      %cond3A_37 = arith.cmpi ne, %convert_element_type3A_35, %cond3A_36 : i32
      scf.if %cond3A_37 {
        %mul3A = arith.constant 632 : i32
        %mul3A_43 = arith.muli %arg1, %mul3A : i32
        "tpu.region"() ({
          %run_scoped3A = tpu.sem_alloc : memref<!tpu.dma_semaphore, #tpu.memory_space<semaphore_mem>>
          %dma_start3A = arith.constant 0 : i32
          %dma_start3A_44 = tpu.memref_slice %arg8[%mul3A_43, %dma_start3A] : memref<10000x128xf32, #tpu.memory_space<hbm>> -> memref<632x128xf32, #tpu.memory_space<hbm>>
          %dma_start3A_45 = arith.constant 0 : i32
          %dma_start3A_46 = tpu.memref_slice %arg15[%mul3A_43, %dma_start3A_45] : memref<10000x128xf32, #tpu.memory_space<vmem_shared>> -> memref<632x128xf32, #tpu.memory_space<vmem_shared>>
          tpu.enqueue_dma source(%dma_start3A_46 : memref<632x128xf32, #tpu.memory_space<vmem_shared>>) target(%dma_start3A_44 : memref<632x128xf32, #tpu.memory_space<hbm>>) target_semaphore(%run_scoped3A : memref<!tpu.dma_semaphore, #tpu.memory_space<semaphore_mem>>)
          %dma_wait3A = arith.constant 0 : i32
          %dma_wait3A_47 = tpu.memref_slice %arg8[%mul3A_43, %dma_wait3A] : memref<10000x128xf32, #tpu.memory_space<hbm>> -> memref<632x128xf32, #tpu.memory_space<hbm>>
          %dma_wait3A_48 = arith.constant 0 : i32
          %dma_wait3A_49 = tpu.memref_slice %arg15[%mul3A_43, %dma_wait3A_48] : memref<10000x128xf32, #tpu.memory_space<vmem_shared>> -> memref<632x128xf32, #tpu.memory_space<vmem_shared>>
          tpu.wait_dma2 semaphore(%run_scoped3A : memref<!tpu.dma_semaphore, #tpu.memory_space<semaphore_mem>>) src(%dma_wait3A_49 : memref<632x128xf32, #tpu.memory_space<vmem_shared>>) dst(%dma_wait3A_47 : memref<632x128xf32, #tpu.memory_space<hbm>>)
          tpu.yield
        }) : () -> ()
      } else {
      }
      %eq3A_38 = arith.constant 15 : i32
      %eq3A_39 = arith.cmpi eq, %arg1, %eq3A_38 : i32
      %convert_element_type3A_40 = arith.extui %eq3A_39 : i1 to i32
      %cond3A_41 = arith.constant 0 : i32
      %cond3A_42 = arith.cmpi ne, %convert_element_type3A_40, %cond3A_41 : i32
      scf.if %cond3A_42 {
        "tpu.region"() ({
          %run_scoped3A = tpu.sem_alloc : memref<!tpu.dma_semaphore, #tpu.memory_space<semaphore_mem>>
          %dma_start3A = arith.constant 9480 : i32
          %dma_start3A_43 = arith.constant 0 : i32
          %dma_start3A_44 = tpu.memref_slice %arg8[%dma_start3A, %dma_start3A_43] : memref<10000x128xf32, #tpu.memory_space<hbm>> -> memref<520x128xf32, #tpu.memory_space<hbm>>
          %dma_start3A_45 = arith.constant 9480 : i32
          %dma_start3A_46 = arith.constant 0 : i32
          %dma_start3A_47 = tpu.memref_slice %arg15[%dma_start3A_45, %dma_start3A_46] : memref<10000x128xf32, #tpu.memory_space<vmem_shared>> -> memref<520x128xf32, #tpu.memory_space<vmem_shared>>
          tpu.enqueue_dma source(%dma_start3A_47 : memref<520x128xf32, #tpu.memory_space<vmem_shared>>) target(%dma_start3A_44 : memref<520x128xf32, #tpu.memory_space<hbm>>) target_semaphore(%run_scoped3A : memref<!tpu.dma_semaphore, #tpu.memory_space<semaphore_mem>>)
          %dma_wait3A = arith.constant 9480 : i32
          %dma_wait3A_48 = arith.constant 0 : i32
          %dma_wait3A_49 = tpu.memref_slice %arg8[%dma_wait3A, %dma_wait3A_48] : memref<10000x128xf32, #tpu.memory_space<hbm>> -> memref<520x128xf32, #tpu.memory_space<hbm>>
          %dma_wait3A_50 = arith.constant 9480 : i32
          %dma_wait3A_51 = arith.constant 0 : i32
          %dma_wait3A_52 = tpu.memref_slice %arg15[%dma_wait3A_50, %dma_wait3A_51] : memref<10000x128xf32, #tpu.memory_space<vmem_shared>> -> memref<520x128xf32, #tpu.memory_space<vmem_shared>>
          tpu.wait_dma2 semaphore(%run_scoped3A : memref<!tpu.dma_semaphore, #tpu.memory_space<semaphore_mem>>) src(%dma_wait3A_52 : memref<520x128xf32, #tpu.memory_space<vmem_shared>>) dst(%dma_wait3A_49 : memref<520x128xf32, #tpu.memory_space<hbm>>)
          tpu.yield
        }) : () -> ()
      } else {
      }
    } else {
    }
    return
  }
}

module attributes {stable_mosaic.version = 14 : i64} {
  func.func @_tc_mlp(%arg0: i32, %arg1: memref<1024x128xf32, #tpu.memory_space<vmem>>, %arg2: memref<1024x128xf32, #tpu.memory_space<vmem>>, %arg3: memref<1x1024xf32, #tpu.memory_space<vmem>>, %arg4: memref<256x256xf32, #tpu.memory_space<vmem>>, %arg5: memref<1x256xf32, #tpu.memory_space<vmem>>, %arg6: memref<256x256xf32, #tpu.memory_space<vmem>>, %arg7: memref<1x256xf32, #tpu.memory_space<vmem>>, %arg8: memref<1024x256xf32, #tpu.memory_space<vmem>>) attributes {dimension_semantics = [#tpu.dimension_semantics<arbitrary>], iteration_bounds = array<i64: 10>, scalar_prefetch = 0 : i64, scratch_operands = 0 : i64, tpu.core_type = #tpu.core_type<tc>, window_params = [{transform_indices = @transform_0, window_bounds = array<i64: 1024, 128>}, {transform_indices = @transform_1, window_bounds = array<i64: 1024, 128>}, {transform_indices = @transform_2, window_bounds = array<i64: 1, 1024>}, {pipeline_mode = #tpu.pipeline_mode<synchronous>, transform_indices = @transform_3, window_bounds = array<i64: 256, 256>}, {pipeline_mode = #tpu.pipeline_mode<synchronous>, transform_indices = @transform_4, window_bounds = array<i64: 1, 256>}, {pipeline_mode = #tpu.pipeline_mode<synchronous>, transform_indices = @transform_5, window_bounds = array<i64: 256, 256>}, {pipeline_mode = #tpu.pipeline_mode<synchronous>, transform_indices = @transform_6, window_bounds = array<i64: 1, 256>}, {transform_indices = @transform_7, window_bounds = array<i64: 1024, 256>}]} {
    %get3A = arith.constant 0 : index
    %get3A_0 = arith.constant 0 : index
    %get3A_1 = vector.load %arg3[%get3A, %get3A_0] : memref<1x1024xf32, #tpu.memory_space<vmem>>, vector<1x1024xf32>
    %max3A = arith.constant 1.000000e+00 : f32
    %max3A_2 = vector.broadcast %max3A : f32 to vector<1x1024xf32>
    %max3A_3 = arith.maximumf %get3A_1, %max3A_2 : vector<1x1024xf32>
    %div3A = arith.constant 1.000000e+00 : f32
    %div3A_4 = vector.broadcast %div3A : f32 to vector<1x1024xf32>
    %div3A_5 = arith.divf %div3A_4, %max3A_3 : vector<1x1024xf32>
    %transpose3A = tpu.transpose %div3A_5, [1, 0] : vector<1x1024xf32> -> vector<1024x1xf32>
    %get3A_6 = arith.constant 0 : index
    %get3A_7 = arith.constant 0 : index
    %get3A_8 = vector.load %arg1[%get3A_6, %get3A_7] : memref<1024x128xf32, #tpu.memory_space<vmem>>, vector<1024x128xf32>
    %mul3A = vector.broadcast %transpose3A : vector<1024x1xf32> to vector<1024x128xf32>
    %mul3A_9 = arith.mulf %get3A_8, %mul3A : vector<1024x128xf32>
    %get3A_10 = arith.constant 0 : index
    %get3A_11 = arith.constant 0 : index
    %get3A_12 = vector.load %arg2[%get3A_10, %get3A_11] : memref<1024x128xf32, #tpu.memory_space<vmem>>, vector<1024x128xf32>
    %mul3A_13 = vector.broadcast %transpose3A : vector<1024x1xf32> to vector<1024x128xf32>
    %mul3A_14 = arith.mulf %get3A_12, %mul3A_13 : vector<1024x128xf32>
    %get3A_15 = arith.constant 0 : index
    %get3A_16 = arith.constant 0 : index
    %get3A_17 = vector.load %arg4[%get3A_15, %get3A_16] : memref<256x256xf32, #tpu.memory_space<vmem>>, vector<128x256xf32>
    %dot_general3A = arith.constant dense<0.000000e+00> : vector<1024x256xf32>
    %dot_general3A_18 = tpu.matmul %mul3A_9, %get3A_17, %dot_general3A {dimension_numbers = #tpu.dot_dimension_numbers<[1], [0], [0], [1], [0, 0, 1, 1], [], []>, transpose_lhs_hint = false} : vector<1024x128xf32>, vector<128x256xf32>, vector<1024x256xf32> -> vector<1024x256xf32>
    %get3A_19 = arith.constant 128 : index
    %get3A_20 = arith.constant 0 : index
    %get3A_21 = vector.load %arg4[%get3A_19, %get3A_20] : memref<256x256xf32, #tpu.memory_space<vmem>>, vector<128x256xf32>
    %dot_general3A_22 = arith.constant dense<0.000000e+00> : vector<1024x256xf32>
    %dot_general3A_23 = tpu.matmul %mul3A_14, %get3A_21, %dot_general3A_22 {dimension_numbers = #tpu.dot_dimension_numbers<[1], [0], [0], [1], [0, 0, 1, 1], [], []>, transpose_lhs_hint = false} : vector<1024x128xf32>, vector<128x256xf32>, vector<1024x256xf32> -> vector<1024x256xf32>
    %add3A = arith.addf %dot_general3A_18, %dot_general3A_23 : vector<1024x256xf32>
    %get3A_24 = arith.constant 0 : index
    %get3A_25 = arith.constant 0 : index
    %get3A_26 = vector.load %arg5[%get3A_24, %get3A_25] : memref<1x256xf32, #tpu.memory_space<vmem>>, vector<1x256xf32>
    %add3A_27 = vector.broadcast %get3A_26 : vector<1x256xf32> to vector<1024x256xf32>
    %add3A_28 = arith.addf %add3A, %add3A_27 : vector<1024x256xf32>
    %max3A_29 = arith.constant 0.000000e+00 : f32
    %max3A_30 = vector.broadcast %max3A_29 : f32 to vector<1024x256xf32>
    %max3A_31 = arith.maximumf %add3A_28, %max3A_30 : vector<1024x256xf32>
    %get3A_32 = arith.constant 0 : index
    %get3A_33 = arith.constant 0 : index
    %get3A_34 = vector.load %arg6[%get3A_32, %get3A_33] : memref<256x256xf32, #tpu.memory_space<vmem>>, vector<256x256xf32>
    %dot_general3A_35 = arith.constant dense<0.000000e+00> : vector<1024x256xf32>
    %dot_general3A_36 = tpu.matmul %max3A_31, %get3A_34, %dot_general3A_35 {dimension_numbers = #tpu.dot_dimension_numbers<[1], [0], [0], [1], [0, 0, 1, 1], [], []>, transpose_lhs_hint = false} : vector<1024x256xf32>, vector<256x256xf32>, vector<1024x256xf32> -> vector<1024x256xf32>
    %get3A_37 = arith.constant 0 : index
    %get3A_38 = arith.constant 0 : index
    %get3A_39 = vector.load %arg7[%get3A_37, %get3A_38] : memref<1x256xf32, #tpu.memory_space<vmem>>, vector<1x256xf32>
    %add3A_40 = vector.broadcast %get3A_39 : vector<1x256xf32> to vector<1024x256xf32>
    %add3A_41 = arith.addf %dot_general3A_36, %add3A_40 : vector<1024x256xf32>
    %swap3A = arith.constant 0 : index
    %swap3A_42 = arith.constant 0 : index
    %swap3A_43 = vector.load %arg8[%swap3A, %swap3A_42] : memref<1024x256xf32, #tpu.memory_space<vmem>>, vector<1024x256xf32>
    tpu.vector_store %arg8[%swap3A, %swap3A_42], %add3A_41 {strides = array<i32>} : memref<1024x256xf32, #tpu.memory_space<vmem>>, vector<1024x256xf32>,
    return
  }
  func.func @transform_0(%arg0: i32) -> (i32, i32) {
    %c0_i32 = arith.constant 0 : i32
    %c0_i32_0 = arith.constant 0 : i32
    return %arg0, %c0_i32 : i32, i32
  }
  func.func @transform_1(%arg0: i32) -> (i32, i32) {
    %c0_i32 = arith.constant 0 : i32
    %c0_i32_0 = arith.constant 0 : i32
    return %arg0, %c0_i32 : i32, i32
  }
  func.func @transform_2(%arg0: i32) -> (i32, i32) {
    %c0_i32 = arith.constant 0 : i32
    %c0_i32_0 = arith.constant 0 : i32
    return %c0_i32, %arg0 : i32, i32
  }
  func.func @transform_3(%arg0: i32) -> (i32, i32) {
    %c0_i32 = arith.constant 0 : i32
    %c0_i32_0 = arith.constant 0 : i32
    %c0_i32_1 = arith.constant 0 : i32
    return %c0_i32, %c0_i32_0 : i32, i32
  }
  func.func @transform_4(%arg0: i32) -> (i32, i32) {
    %c0_i32 = arith.constant 0 : i32
    %c0_i32_0 = arith.constant 0 : i32
    %c0_i32_1 = arith.constant 0 : i32
    return %c0_i32, %c0_i32_0 : i32, i32
  }
  func.func @transform_5(%arg0: i32) -> (i32, i32) {
    %c0_i32 = arith.constant 0 : i32
    %c0_i32_0 = arith.constant 0 : i32
    %c0_i32_1 = arith.constant 0 : i32
    return %c0_i32, %c0_i32_0 : i32, i32
  }
  func.func @transform_6(%arg0: i32) -> (i32, i32) {
    %c0_i32 = arith.constant 0 : i32
    %c0_i32_0 = arith.constant 0 : i32
    %c0_i32_1 = arith.constant 0 : i32
    return %c0_i32, %c0_i32_0 : i32, i32
  }
  func.func @transform_7(%arg0: i32) -> (i32, i32) {
    %c0_i32 = arith.constant 0 : i32
    %c0_i32_0 = arith.constant 0 : i32
    return %arg0, %c0_i32 : i32, i32
  }
}

</mosaic_0001>

<sc_bundles>
// kernel: kernel.4.cloned.1.call-start
scs
__scs_entry_jumppad:
0x0: {  	(pc) =	sbr.rel $0x88, $3  }
0x1: {  	(tag) =	ssettag $0x0;
	lr =	simm.s32 $0x1  }
0x2: {  	[smem:$0x3F9B] =	sst lr;
	_ =	strace $0xD0000000  }
0x3: {  	_ = 	snop  }
0x4: {  	_ = 	snop  }
0x5: {  	_ = 	snop  }
0x6: {  	_ = 	snop  }
0x7: {  	_ = 	snop  }
__scs_overlays_trampoline_lowered:
0x8: {  	[smem:$0x3FAA] =	sst s0  }
0x9: {  	[smem:$0x3FAB] =	sst s1  }
0xa: {  	[smem:$0x3FAC] =	sst s2  }
0xb: {  	[smem:$0x3FAD] =	sst s3  }
0xc: {  	[smem:$0x3FAE] =	sst s4  }
0xd: {  	[smem:$0x3FAF] =	sst s5  }
0xe: {  	[smem:$0x3FB0] =	sst s6  }
0xf: {  	[smem:$0x3FB1] =	sst s7  }
0x10: {  	[smem:$0x3FB2] =	sst s8  }
0x11: {  	[smem:$0x3FB3] =	sst s9;
	s0 =	simm.s32 @!p0 $0x0  }
0x12: {  	s1 =	sld [smem:$0x3F99];
	s0 =	simm.s32 @p0 $0x1  }
0x13: {  	[smem:$0x3FB4] =	sst s0;
	s0 =	simm.s32 @!p1 $0x0  }
0x14: {  	s2 =	sld [smem:$0x3F98];
	s0 =	simm.s32 @p1 $0x1  }
0x15: {  	[smem:$0x3FB5] =	sst s0;
	s0 =	simm.s32 @!p2 $0x0  }
0x16: {  	s3 =	sld [smem:$0x3FDB];
	s0 =	simm.s32 @p2 $0x1  }
0x17: {  	s4 =	simm.s32 $0x1BF5;
	[smem:$0x3FB7] =	sst s0  }
0x18: {  	s0 =	sld [smem:$0x3F9A];
	_ =	swait.ge [sflag:s4], $0x0  }
0x19: {  	s7 =	sld [smem:$0x3F9B]  }
0x1a: {  	s8 =	sadd.s32 $0xFFFFE003, lr  }
0x1b: {  	s9 =	sadd.s32 $0xFFFFFEF7, lr;
	s5 =	simm.s32 $0xFFFFFFFF;
	p2 =	slt.u32 s8, $0xFFFFF086  }
0x1c: {  	p1 =	slt.u32 s9, $0xF7A;
	s5 =	simm.s32 @!p2 $0x0  }
0x1d: {  	s5 =	simm.s32 @p1 $0x1;
	p0 =	seq.s32 s7, s2  }
0x1e: {  	s7 =	smul.u32 @!p0 $0xF7A, s2;
	p2 =	seq.s32 @!p0 s5, $0x0  }
0x1f: {  	s9 =	smul.u32 $0xF7A, s1;
	s8 =	simm.s32 @!p0 $0x1BF5;
	p2 =	por !p2, p0  }
0x20: {  	[sflag:s8] =	ssyncset.s32 @!p0 $0xFFFFF086;
	s6 =	sadd.s32 @!p0 s3, s7;
	s7 =	simm.s32 @!p0 $0x108  }
0x21: {  	s3 =	sadd.s32 s3, s9;
	s6 =	sadd.s32 @!p0 $0x88, s6;
	s7 =	simm.s32 @p2 $0x1082  }
0x22: {  	[simem:s7], [sflag:s8] =	dma.local @!p0 [hbm:s6], $0xF7A  }
0x23: {  	s9 =	sor.u32 $0xD0000000, s2;
	s6 =	simm.s32 $0x108;
	_ =	swait.ge @!p0 [sflag:s8], $0x0  }
0x24: {  	s3 =	sadd.s32 $0x88, s3;
	s6 =	simm.s32 @!p1 $0x1082;
	[sflag:s4] =	ssyncset.s32 $0xFFFFF086  }
0x25: {  	[simem:s6], [sflag:s4] =	dma.local [hbm:s3], $0xF7A  }
0x26: {  	[smem:$0x3F9B] =	sst s1;
	(tag) =	ssettag s2;
	_ =	strace s9  }
0x27: {  	s1 =	sld [smem:$0x3FAB]  }
0x28: {  	s2 =	sld [smem:$0x3FAC]  }
0x29: {  	s4 =	sld [smem:$0x3FAE]  }
0x2a: {  	p0 =	seq.s32 s5, $0x0;
	s5 =	sld [smem:$0x3FAF]  }
0x2b: {  	s6 =	sld [smem:$0x3FB0]  }
0x2c: {  	s7 =	sld [smem:$0x3FB1]  }
0x2d: {  	s3 =	simm.s32 $0x108;
	s8 =	sld [smem:$0x3FB2]  }
0x2e: {  	s3 =	simm.s32 @!p0 $0x1082;
	s9 =	sld [smem:$0x3FB3]  }
0x2f: {  	lr =	sadd.s32 s0, s3;
	s0 =	sld [smem:$0x3FAA]  }
0x30: {  	s3 =	sld [smem:$0x3FAD]  }
0x31: {  	[smem:$0x3FB6] =	sst s10  }
0x32: {  	s10 =	sld [smem:$0x3FB4];
	_ =	sdelay $0x3  }
0x33: {  	p0 =	seq.s32 s10, $0x1;
	s10 =	sld [smem:$0x3FB6];
	_ =	sdelay $0x3  }
0x34: {  	[smem:$0x3FB6] =	sst s10  }
0x35: {  	s10 =	sld [smem:$0x3FB5];
	_ =	sdelay $0x3  }
0x36: {  	p1 =	seq.s32 s10, $0x1;
	s10 =	sld [smem:$0x3FB6];
	_ =	sdelay $0x3  }
0x37: {  	[smem:$0x3FB6] =	sst s10  }
0x38: {  	s10 =	sld [smem:$0x3FB7]  }
0x39: {  	_ = 	snop;
	(pc) =	sbr.ind lr, $3  }
0x3a: {  	_ = 	snop  }
0x3b: {  	_ = 	snop  }
0x3c: {  	p2 =	seq.s32 s10, $0x1;
	s10 =	sld [smem:$0x3FB6]  }
0x3d: {  	_ =	shalt  }
0x3e: {  	_ =	shalt  }
0x3f: {  	_ =	shalt  }
0x40: {  	_ =	shalt  }
0x41: {  	_ =	shalt  }
0x42: {  	_ =	shalt  }
0x43: {  	_ =	shalt  }
0x44: {  	_ =	shalt  }
0x45: {  	_ =	shalt  }
0x46: {  	_ =	shalt  }
0x47: {  	_ =	shalt  }
0x48: {  	_ =	shalt  }
0x49: {  	_ =	shalt  }
0x4a: {  	_ =	shalt  }
0x4b: {  	_ =	shalt  }
0x4c: {  	_ =	shalt  }
0x4d: {  	_ =	shalt  }
0x4e: {  	_ =	shalt  }
0x4f: {  	_ =	shalt  }
0x50: {  	_ =	shalt  }
0x51: {  	_ =	shalt  }
0x52: {  	_ =	shalt  }
0x53: {  	_ =	shalt  }
0x54: {  	_ =	shalt  }
0x55: {  	_ =	shalt  }
0x56: {  	_ =	shalt  }
0x57: {  	_ =	shalt  }
0x58: {  	_ =	shalt  }
0x59: {  	_ =	shalt  }
0x5a: {  	_ =	shalt  }
0x5b: {  	_ =	shalt  }
0x5c: {  	_ =	shalt  }
0x5d: {  	_ =	shalt  }
0x5e: {  	_ =	shalt  }
0x5f: {  	_ =	shalt  }
0x60: {  	_ =	shalt  }
0x61: {  	_ =	shalt  }
0x62: {  	_ =	shalt  }
0x63: {  	_ =	shalt  }
0x64: {  	_ =	shalt  }
0x65: {  	_ =	shalt  }
0x66: {  	_ =	shalt  }
0x67: {  	_ =	shalt  }
0x68: {  	_ =	shalt  }
0x69: {  	_ =	shalt  }
0x6a: {  	_ =	shalt  }
0x6b: {  	_ =	shalt  }
0x6c: {  	_ =	shalt  }
0x6d: {  	_ =	shalt  }
0x6e: {  	_ =	shalt  }
0x6f: {  	_ =	shalt  }
0x70: {  	_ =	shalt  }
0x71: {  	_ =	shalt  }
0x72: {  	_ =	shalt  }
0x73: {  	_ =	shalt  }
0x74: {  	_ =	shalt  }
0x75: {  	_ =	shalt  }
0x76: {  	_ =	shalt  }
0x77: {  	_ =	shalt  }
0x78: {  	_ =	shalt  }
0x79: {  	_ =	shalt  }
0x7a: {  	_ =	shalt  }
0x7b: {  	_ =	shalt  }
0x7c: {  	_ =	shalt  }
0x7d: {  	_ =	shalt  }
0x7e: {  	_ =	shalt  }
0x7f: {  	_ =	shalt  }
0x80: {  	_ =	shalt  }
0x81: {  	_ =	shalt  }
0x82: {  	_ =	shalt  }
0x83: {  	_ =	shalt  }
0x84: {  	_ =	shalt  }
0x85: {  	_ =	shalt  }
0x86: {  	_ =	shalt  }
0x87: {  	_ =	shalt  }
.Lfunc_end0:
.L_simem_size_0:
called_computation_lowered:
.L_overlay_start_0:
0x88: {  	s2 =	sld [smem:$0x3FD9]  }
0x89: {  	s3 =	sld [smem:$0x3FFE];
	_ =	sdelay $0x1  }
0x8a: {  	s1 =	srdreg.scid  }
0x8b: {  	s0 =	sand.u32 $0x1, s1  }
0x8c: {  	s17 =	sshll.u32 s0, $0xA;
	s2 =	sadd.s32 s3, s2  }
0x8d: {  	s2 =	sadd.s32 s2, s17  }
0x8e: {  	[smem:$0x3FC2] =	sst s2  }
0x8f: {  	_ = 	snop  }
0x90: {  	s2 =	sld [smem:$0x3FD0];
	(tm) =	ssettm $0x1  }
0x91: {  	s18 =	sld [smem:$0x3FFB];
	_ =	sdelay $0x3  }
0x92: {  	_ =	strace s18  }
0x93: {  	s3 =	sld [smem:$0x3FFC];
	_ =	sdelay $0x3  }
0x94: {  	_ =	strace s3  }
0x95: {  	s3 =	sld [smem:$0x3FFD];
	_ =	sdelay $0x3  }
0x96: {  	_ =	strace s3  }
0x97: {  	_ =	strace $0x8FFFFFFF  }
0x98: {  	s19 =	sld [smem:$0x3FDB];
	_ =	sdelay $0x1  }
0x99: {  	s4 =	simm.s32 $_scs_section_size  }
0x9a: {  	s5 =	simm.s32 $_size__tile_overlayer_lowered;
	s6 =	simm.s32 $_tile_overlayer_lowered  }
0x9b: {  	s22 =	simm.s32 $0x1BFF;
	s21 =	sshll.u32 s6, $0x1;
	s3 =	sadd.s32 s4, s19  }
0x9c: {  	s7 =	simm.s32 $0x0;
	s20 =	sshll.u32 s5, $0x1;
	s5 =	sadd.s32 s21, s3  }
0x9d: {  	[timem:s7], [sflag:s22] =	dma.local [hbm:s5], s20  }
0x9e: {  	_ =	swait.ge [sflag:s22], s20  }
0x9f: {  	s4 =	ssub.s32 $0x0, s20;
	[sflag:s22] =	ssyncset.done $0x0  }
0xa0: {  	[sflag:s22] =	ssyncadd.s32 s4;
	_ =	sdelay $0x1  }
0xa1: {  	s23 =	simm.s32 $0x1B8B  }
0xa2: {  	_ =	swait.ge [sflag:s23], $0x1  }
0xa3: {  	[sflag:s23] =	ssyncset.done $0x0  }
0xa4: {  	s25 =	simm.s32 $0x1B8E;
	s24 =	sld [smem:$0x3FFE];
	[sflag:s23] =	ssyncadd.s32 $0xFFFFFFFF  }
0xa5: {  	s26 =	simm.s32 $execute0_lowered;
	[smem:$0x3FD2] =	sst s25  }
0xa6: {  	s5 =	sshll.u32 s26, $0x1;
	_ =	strace $0x80000046;
	[dreg:$0x1] =	wrdreg $0xFFFFFFFF  }
0xa7: {  	s28 =	simm.s32 $_size_execute0_lowered;
	s3 =	sadd.s32 s3, s5;
	[dreg:$0x0] =	wrdreg $0x0  }
0xa8: {  	s5 =	sshll.u32 s28, $0x1;
	[dreg:$0x2] =	wrdreg s3  }
0xa9: {  	[dreg:$0x3] =	wrdreg s5  }
0xaa: {  	[dreg:$0x4] =	wrdreg $0xC0  }
0xab: {  	_ =	task [dreg:s7], $0x5FFFF  }
0xac: {  	[dreg:$0x1] =	wrdreg $0xFFFFFFFF  }
0xad: {  	[dreg:$0x0] =	wrdreg $0x60  }
0xae: {  	[dreg:$0x2] =	wrdreg s24  }
0xaf: {  	[dreg:$0x3] =	wrdreg s2  }
0xb0: {  	[dreg:$0x4] =	wrdreg $0xC6200  }
0xb1: {  	[dreg:$0x5] =	wrdreg $0x9  }
0xb2: {  	_ =	task.clear_ibuf [dreg:s7], $0x6FFFF;
	_ =	strace $0x90000046  }
0xb3: {  	s29 =	simm.s32 $0x9;
	_ =	strace $0x80000048  }
0xb4: {  	_ =	swait.ge [sflag:s29], $0x1  }
0xb5: {  	[sflag:s29] =	ssyncadd.s32 $0xFFFFFFFF  }
0xb6: {  	_ =	strace $0x90000048  }
0xb7: {  	_ =	sfence  }
0xb8: {  	s30 =	sld [smem:$0x0];
	_ =	sdelay $0x2  }
0xb9: {  	s31 =	sshll.u32 s1, $0xD;
	s1 =	sshrl.u32 s1, $0x2  }
0xba: {  	s3 =	sand.u32 $0x4000, s31;
	s1 =	sadd.s32 s1, s30  }
0xbb: {  	s0 =	sor.u32 s3, s0;
	s1 =	sshll.u32 s1, $0x11  }
0xbc: {  	s0 =	sor.u32 s1, s0  }
0xbd: {  	s0 =	sadd.s32 $0x8F2B, s0  }
0xbe: {  	[sflag:s0] =	ssyncadd.remote.s32 $0x1  }
0xbf: {  	_ =	sfence.sel $0xFFFF  }
0xc0: {  	[dreg:$0x0] =	wrdreg $0xFFFFFFFF;
	(pc) =	sbr.abs _section_cstart, $3  }
0xc1: {  	[dreg:$0x1] =	wrdreg $0xFFFFFFFF  }
0xc2: {  	_ =	task.clear_ibuf [dreg:s7], $0x2FFFF;
	_ =	strace $0x9FFFFFFF  }
0xc3: {  	(tm) =	ssettm $0x7FFFFFFF  }
tec
execute0_lowered:
.L_overlay_start_1:
0x0: {  	(tag) =	ssettag $0x1  }
0x1: {  	s0 =	rddreg [dreg:$0x0]  }
0x2: {  	s1 =	rddreg [dreg:$0x1]  }
0x3: {  	s3 =	rddreg [dreg:$0x2];
	s4 =	simm.s32 $0x0;
	s2 =	stileid.u32  }
0x4: {  	s6 =	srdreg.scid;
	s21 =	simm.s32 $0x4;
	s5 =	smul.u32 $0x4E2, s2  }
0x5: {  	s28 =	simm.s32 $0x2;
	s29 =	simm.s32 $0x7620;
	s11 =	smul.u32 $0x13C00, s2  }
0x6: {  	s30 =	simm.s32 $0x3;
	s31 =	simm.s32 $0x0;
	s7 =	smul.u32 $0x500, s2  }
0x7: {  	[smem:$0x7FF] =	sst s4;
	s17 =	sadd.s32 $0xA00, s0;
	s12 =	smul.u32 $0x4F000, s2  }
0x8: {  	s14 =	sadd.s32 $0x5E480, s0;
	p0 =	seq.s32 s2, $0xF;
	_ =	strace $0x80000047  }
0x9: {  	s9 =	sadd.s32 s5, s0;
	s5 =	sand.u32 $0x1, s6;
	s8 =	sshrl.u32 s11, $0x3  }
0xa: {  	s6 =	sadd.s32 $0x31C00, s0;
	s15 =	sadd.s32 s7, s0;
	s24 =	sshrl.u32 s12, $0x2  }
0xb: {  	s7 =	sadd.s32 $0x128400, s3;
	s11 =	sadd.s32 s11, s3;
	s12 =	sadd.s32 $0x85680, s0  }
0xc: {  	s10 =	ssub.s32 $0x2, s5;
	s13 =	sadd.s32 s8, s0;
	s19 =	sadd.s32 s24, s3  }
0xd: {  	s25 =	sadd.s32 $0x2CC00, s9;
	s26 =	sadd.s32 $0x27C00, s9;
	p1 =	seq.s32 s5, $0x0  }
0xe: {  	s15 =	sadd.s32 $0x34400, s15;
	s0 =	sshll.u32 @!p0 s2, $0x6;
	[dreg:$0x4] =	wrdreg s25  }
0xf: {  	s24 =	simm.s32 $0x4E20;
	s23 =	sshrl.u32 s10, $0x1;
	[dreg:$0x5] =	wrdreg s26  }
0x10: {  	s1 =	smov.u32 @p1 s17;
	s17 =	sshrl.u32 @p0 s7, $0x3;
	s18 =	sor.u32 @!p0 $0x1C04, s0  }
0x11: {  	s19 =	sshrl.u32 @!p0 s19, $0x3;
	p1 =	sne.s32 s5, $0x0;
	s25 =	simm.s32 $0x1  }
.Ltmp0:
0x12: {  	s16 =	ssub.s32 s10, s23;
	p3 =	seq.s32 @p1 s2, $0xF;
	(pc) =	sbr.rel .LBB2_1-.Ltmp0, $4  }
0x13: {  	s10 =	sadd.s32 $0x60600, s13;
	s13 =	sadd.s32 $0x39400, s13;
	p2 =	por !p3, !p1  }
0x14: {  	s23 =	simm.s32 $0x50;
	p5 =	seq.s32 @!p1 s2, $0xF;
	s0 =	simm.s32 @!p2 $0x0  }
0x15: {  	s16 =	smax.u32 s16, $0x1;
	p3 =	por p3, !p1;
	s0 =	simm.s32 @p2 $0x1  }
0x16: {  	p4 =	por !p5, p1;
	p5 =	por p5, p1;
	[smem:$0x7FD] =	sst s0  }
.LBB2_6:
0x17: {  	_ =	swait.ge [sflag:s25], $0x2800  }
0x18: {  	[sflag:s25] =	ssyncset.done $0x0  }
0x19: {  	s0 =	simm.s32 $0x4DD0;
	[sflag:s25] =	ssyncadd.s32 $0xFFFFD800  }
0x1a: {  	[spmem:s3] =	stream.indirect.scatter.add.f32 [tilespmem:s24], [sflag:$0x3], $0x80, s0, s23, $0xb8;
	[tilespmem:$0x1FEA0] =	vst v63  }
0x1b: {  	s0 =	simm.s32 @p1 $0x3  }
0x1c: {  	_ =	swait.ge @p1 [sflag:s0], $0x2800  }
0x1d: {  	[sflag:s0] =	ssyncset.done @p1 $0x0  }
0x1e: {  	[sflag:s0] =	ssyncadd.s32 @p1 $0xFFFFD800  }
0x1f: {  	[bflag:$0x0] =	sbarrier.arrive @p1 $0xFFFF  }
0x20: {  	s26 =	sld [smem:$0x7FD];
	_ =	sdelay $0x2  }
0x21: {  	p2 =	seq.s32 s26, $0x1  }
0x22: {  	s0 =	sshrl.u32 @!p2 s7, $0x3;
	s8 =	simm.s32 @!p2 $0x1FC4  }
0x23: {  	[hbm:s12], [sflag:s8] =	dma.local @!p2 [spmem:s0], $0x2080  }
0x24: {  	s0 =	simm.s32 @!p2 $0x4  }
0x25: {  	_ =	swait.ge @!p2 [sflag:s0], $0x2080  }
0x26: {  	s8 =	sshll.u32 @!p3 s2, $0x6;
	[sflag:s0] =	ssyncset.done @!p2 $0x0  }
0x27: {  	[sflag:s0] =	ssyncadd.s32 @!p2 $0xFFFFDF80;
	s0 =	sor.u32 @!p3 $0x1C04, s8;
	s8 =	sshrl.u32 @!p3 s11, $0x3  }
0x28: {  	[hbm:s10], [sflag:s0] =	dma.local @!p3 [spmem:s8], $0x2780  }
0x29: {  	s0 =	simm.s32 @!p3 $0x4  }
0x2a: {  	_ =	swait.ge @!p3 [sflag:s0], $0x2780  }
0x2b: {  	[sflag:s0] =	ssyncset.done @!p3 $0x0  }
0x2c: {  	[sflag:s0] =	ssyncadd.s32 @!p3 $0xFFFFD880  }
0x2d: {  	v0 =	vld @!p1 [tilespmem:$0x4DD0];
	_ =	sdelay $0x6  }
0x2e: {  	v1 =	vimm.f32 @!p1 $1.000000000e+00;
	s0 =	simm.s32 @!p1 $0x9E20  }
0x2f: {  	[tilespmem:v0+s0+$0x0] =	vst.idx.add.f32.msk @!p1 $0xffff, v1  }
0x30: {  	v0 =	vld @!p1 [tilespmem:$0x4DE0];
	_ =	sdelay $0x7  }
0x31: {  	[tilespmem:v0+s0+$0x0] =	vst.idx.add.f32.msk @!p1 $0xffff, v1  }
0x32: {  	v0 =	vld @!p1 [tilespmem:$0x4DF0];
	_ =	sdelay $0x7  }
0x33: {  	[tilespmem:v0+s0+$0x0] =	vst.idx.add.f32.msk @!p1 $0xffff, v1  }
0x34: {  	v0 =	vld @!p1 [tilespmem:$0x4E00];
	_ =	sdelay $0x7  }
0x35: {  	[tilespmem:v0+s0+$0x0] =	vst.idx.add.f32.msk @!p1 $0xffff, v1  }
0x36: {  	v0 =	vld @!p1 [tilespmem:$0x4E10];
	_ =	sdelay $0x7  }
0x37: {  	s8 =	simm.s32 @!p1 $0x3;
	[tilespmem:v0+s0+$0x0] =	vst.idx.add.f32.msk @!p1 $0xffff, v1  }
0x38: {  	_ =	swait.ge @!p1 [sflag:s8], $0x2800  }
0x39: {  	[sflag:s8] =	ssyncset.done @!p1 $0x0  }
0x3a: {  	[sflag:s8] =	ssyncadd.s32 @!p1 $0xFFFFD800  }
0x3b: {  	s9 =	simm.s32 @!p4 $0x1FC4;
	s8 =	sshrl.u32 @!p4 s7, $0x3;
	[bflag:$0x0] =	sbarrier.arrive @!p1 $0xFFFF  }
0x3c: {  	[hbm:s14], [sflag:s9] =	dma.local @!p4 [spmem:s8], $0x2080  }
0x3d: {  	s8 =	simm.s32 @!p4 $0x4  }
0x3e: {  	_ =	swait.ge @!p4 [sflag:s8], $0x2080  }
0x3f: {  	s9 =	sshll.u32 @!p5 s2, $0x6;
	[sflag:s8] =	ssyncset.done @!p4 $0x0  }
0x40: {  	[sflag:s8] =	ssyncadd.s32 @!p4 $0xFFFFDF80;
	s8 =	sor.u32 @!p5 $0x1C04, s9;
	s9 =	sshrl.u32 @!p5 s11, $0x3  }
0x41: {  	[hbm:s13], [sflag:s8] =	dma.local @!p5 [spmem:s9], $0x2780  }
0x42: {  	s8 =	simm.s32 @!p5 $0x4  }
0x43: {  	_ =	swait.ge @!p5 [sflag:s8], $0x2780  }
0x44: {  	s31 =	sadd.s32 $0x1, s31;
	[sflag:s8] =	ssyncset.done @!p5 $0x0  }
0x45: {  	p2 =	sne.s32 s31, s16;
	[sflag:s8] =	ssyncadd.s32 @!p5 $0xFFFFD880;
	s8 =	simm.s32 @!p1 $0x0  }
0x46: {  	[hbm4b:s15+s8] =	stream.linear.scatter @!p1 [tilespmem:s0], [sflag:$0x4], $0x2800, $0x38;
	[tilespmem:$0x1FEA0] =	vst v63  }
.Ltmp1:
0x47: {  	_ = 	snop;
	(pc) =	sbr.rel @!p2 .LBB2_7-.Ltmp1, $4  }
0x48: {  	s0 =	simm.s32 @!p1 $0x4  }
0x49: {  	_ =	swait.ge @!p1 [sflag:s0], $0x2800  }
0x4a: {  	[sflag:s0] =	ssyncset.done @!p1 $0x0  }
0x4b: {  	[sflag:s0] =	ssyncadd.s32 @!p1 $0xFFFFD800  }
.LBB2_1:
0x4c: {  	s0 =	simm.s32 @p0 $0x1FC4  }
0x4d: {  	[spmem:s17], [sflag:s0] =	dma.local @p0 [hbm:s6], $0x2080  }
0x4e: {  	s0 =	simm.s32 @p0 $0x4  }
0x4f: {  	_ =	swait.ge @p0 [sflag:s0], $0x2080  }
0x50: {  	[sflag:s0] =	ssyncset.done @p0 $0x0  }
0x51: {  	[sflag:s0] =	ssyncadd.s32 @p0 $0xFFFFDF80;
	s0 =	simm.s32 @!p0 $0x4  }
0x52: {  	[spmem:s19], [sflag:s18] =	dma.local @!p0 [hbm:s6], $0x2780  }
0x53: {  	_ =	swait.ge @!p0 [sflag:s0], $0x2780  }
0x54: {  	[sflag:s0] =	ssyncset.done @!p0 $0x0  }
0x55: {  	s20 =	simm.s32 $0x9E20;
	[sflag:s0] =	ssyncadd.s32 @!p0 $0xFFFFD880  }
0x56: {  	[tilespmem:s20], [sflag:$0x4] =	stream.linear.gather [hbm4b:s6+s4], $0x2800, $0x38;
	[tilespmem:$0x1FEA0] =	vst v63  }
0x57: {  	_ =	swait.ge [sflag:s21], $0x2800  }
0x58: {  	[sflag:s21] =	ssyncset.done $0x0  }
0x59: {  	s22 =	rddreg [dreg:$0x4];
	[sflag:s21] =	ssyncadd.s32 $0xFFFFD800  }
0x5a: {  	[tilespmem:s4], [sflag:$0x4] =	stream.linear.gather [hbm4b:s22+s4], $0x2710, $0x38;
	[tilespmem:$0x1FEA0] =	vst v63  }
0x5b: {  	_ =	swait.ge [sflag:s21], $0x2710  }
0x5c: {  	[sflag:s21] =	ssyncset.done $0x0  }
0x5d: {  	s8 =	simm.s32 $0x2710;
	s26 =	rddreg [dreg:$0x5];
	[sflag:s21] =	ssyncadd.s32 $0xFFFFD8F0  }
0x5e: {  	[tilespmem:s8], [sflag:$0x4] =	stream.linear.gather [hbm4b:s26+s4], $0x2710, $0x38;
	[tilespmem:$0x1FEA0] =	vst v63  }
.Ltmp2:
0x5f: {  	_ =	swait.ge [sflag:s21], $0x2710;
	(pc) =	sbr.rel .LBB2_2-.Ltmp2, $4  }
0x60: {  	[sflag:s21] =	ssyncset.done $0x0  }
0x61: {  	[sflag:s21] =	ssyncadd.s32 $0xFFFFD8F0  }
0x62: {  	s0 =	simm.s32 $0x0;
	[bflag:$0x0] =	sbarrier.arrive $0xFFFF  }
0x63: {  	[tilespmem:s24], [sflag:$0x1] =	stream.indirect.gather [hbm4b:s1+s23], $0x80, s4, s23, $0xb8;
	[tilespmem:$0x1FEA0] =	vst v63  }
.LBB2_4:
0x64: {  	s8 =	smul.u32 $0x140, s0;
	_ =	sdelay $0x1  }
0x65: {  	s9 =	sadd.s32 $0x140, s8  }
0x66: {  	s9 =	sshra.s32 s9, $0x2  }
0x67: {  	[tilespmem:s24], [sflag:$0x1] =	stream.indirect.gather [hbm4b:s1+s23], $0x80, s9, s23, $0xb8;
	[tilespmem:$0x1FEA0] =	vst v63  }
0x68: {  	_ =	swait.ge [sflag:s28], $0x2800  }
0x69: {  	s8 =	sshra.s32 s8, $0x2;
	[sflag:s28] =	ssyncset.done $0x0  }
0x6a: {  	s26 =	sadd.s32 $0x2710, s8;
	[sflag:s28] =	ssyncadd.s32 $0xFFFFD800  }
0x6b: {  	[spmem:s3] =	stream.indirect.scatter.add.f32 [tilespmem:s29], [sflag:$0x3], $0x80, s26, s23, $0xb8;
	[tilespmem:$0x1FEA0] =	vst v63  }
0x6c: {  	v0 =	vld @!p1 [tilespmem:s8+$0x2710];
	_ =	sdelay $0x6  }
0x6d: {  	v1 =	vimm.f32 @!p1 $1.000000000e+00;
	s9 =	simm.s32 @!p1 $0x9E20  }
0x6e: {  	[tilespmem:v0+s9+$0x0] =	vst.idx.add.f32.msk @!p1 $0xffff, v1  }
0x6f: {  	v0 =	vld @!p1 [tilespmem:s8+$0x2720];
	_ =	sdelay $0x7  }
0x70: {  	[tilespmem:v0+s9+$0x0] =	vst.idx.add.f32.msk @!p1 $0xffff, v1  }
0x71: {  	v0 =	vld @!p1 [tilespmem:s8+$0x2730];
	_ =	sdelay $0x7  }
0x72: {  	[tilespmem:v0+s9+$0x0] =	vst.idx.add.f32.msk @!p1 $0xffff, v1  }
0x73: {  	v0 =	vld @!p1 [tilespmem:s8+$0x2740];
	_ =	sdelay $0x7  }
0x74: {  	[tilespmem:v0+s9+$0x0] =	vst.idx.add.f32.msk @!p1 $0xffff, v1  }
0x75: {  	v0 =	vld @!p1 [tilespmem:s8+$0x2750];
	_ =	sdelay $0x7  }
0x76: {  	[tilespmem:v0+s9+$0x0] =	vst.idx.add.f32.msk @!p1 $0xffff, v1  }
0x77: {  	_ =	swait.ge [sflag:s30], $0x2800  }
0x78: {  	[sflag:s30] =	ssyncset.done $0x0  }
0x79: {  	s0 =	sadd.s32 $0x1, s0;
	[sflag:s30] =	ssyncadd.s32 $0xFFFFD800  }
.LBB2_5:
0x7a: {  	p2 =	sne.s32 s0, $0x7C  }
.Ltmp3:
0x7b: {  	_ = 	snop;
	(pc) =	sbr.rel @!p2 .LBB2_6-.Ltmp3, $1  }
0x7c: {  	_ =	sdelay $0x3  }
.LBB2_2:
0x7d: {  	s20 =	sand.u32 $0x1, s0  }
0x7e: {  	p6 =	seq.s32 s20, $0x1  }
0x7f: {  	s22 =	smul.u32 @!p6 $0x140, s0;
	_ =	sdelay $0x1  }
0x80: {  	s22 =	sshra.s32 @!p6 s22, $0x2  }
0x81: {  	s8 =	simm.s32 @!p6 $0x50;
	s9 =	simm.s32 @!p6 $0x7620;
	s26 =	sadd.s32 @!p6 $0x50, s22  }
0x82: {  	[tilespmem:s9], [sflag:$0x2] =	stream.indirect.gather @!p6 [hbm4b:s1+s8], $0x80, s26, s8, $0xb8;
	[tilespmem:$0x1FEA0] =	vst v63  }
0x83: {  	s9 =	simm.s32 @!p6 $0x1  }
0x84: {  	p2 =	sne.s32 @!p6 s5, $0x0;
	_ =	swait.ge @!p6 [sflag:s9], $0x2800  }
0x85: {  	p2 =	por p2, p6;
	[sflag:s9] =	ssyncset.done @!p6 $0x0  }
0x86: {  	s26 =	simm.s32 @!p6 $0x4E20;
	[sflag:s9] =	ssyncadd.s32 @!p6 $0xFFFFD800;
	s9 =	sadd.s32 @!p6 $0x2710, s22  }
0x87: {  	[spmem:s3] =	stream.indirect.scatter.add.f32 @!p6 [tilespmem:s26], [sflag:$0x3], $0x80, s9, s8, $0xb8;
	[tilespmem:$0x1FEA0] =	vst v63  }
0x88: {  	v0 =	vld @!p2 [tilespmem:s22+$0x2710];
	_ =	sdelay $0x6  }
0x89: {  	v1 =	vimm.f32 @!p2 $1.000000000e+00;
	s8 =	simm.s32 @!p2 $0x9E20  }
0x8a: {  	[tilespmem:v0+s8+$0x0] =	vst.idx.add.f32.msk @!p2 $0xffff, v1  }
0x8b: {  	v0 =	vld @!p2 [tilespmem:s22+$0x2720];
	_ =	sdelay $0x7  }
0x8c: {  	[tilespmem:v0+s8+$0x0] =	vst.idx.add.f32.msk @!p2 $0xffff, v1  }
0x8d: {  	v0 =	vld @!p2 [tilespmem:s22+$0x2730];
	_ =	sdelay $0x7  }
0x8e: {  	[tilespmem:v0+s8+$0x0] =	vst.idx.add.f32.msk @!p2 $0xffff, v1  }
0x8f: {  	v0 =	vld @!p2 [tilespmem:s22+$0x2740];
	_ =	sdelay $0x7  }
0x90: {  	[tilespmem:v0+s8+$0x0] =	vst.idx.add.f32.msk @!p2 $0xffff, v1  }
0x91: {  	v0 =	vld @!p2 [tilespmem:s22+$0x2750];
	_ =	sdelay $0x7  }
0x92: {  	[tilespmem:v0+s8+$0x0] =	vst.idx.add.f32.msk @!p2 $0xffff, v1;
	p2 =	sne.s32 @!p6 s20, $0x0  }
0x93: {  	p2 =	por p6, p2  }
.Ltmp4:
0x94: {  	_ = 	snop;
	(pc) =	sbr.rel @p2 .LBB2_4-.Ltmp4, $4  }
0x95: {  	s8 =	simm.s32 @!p6 $0x3  }
0x96: {  	_ =	swait.ge @!p6 [sflag:s8], $0x2800  }
0x97: {  	[sflag:s8] =	ssyncset.done @!p6 $0x0  }
0x98: {  	[sflag:s8] =	ssyncadd.s32 @!p6 $0xFFFFD800  }
.Ltmp5:
0x99: {  	(pc) =	sbr.rel .LBB2_5-.Ltmp5, $2  }
0x9a: {  	_ =	sdelay $0x2  }
0x9b: {  	s0 =	sor.u32 $0x1, s0  }
.LBB2_7:
0x9c: {  	_ =	sfence.sel $0x180000  }
0x9d: {  	[bflag:$0x0] =	sbarrier.arrive $0xFFFF  }
0x9e: {  	_ =	strace $0x90000047  }
0x9f: {  	[bflag:$0x2] =	sbarrier.arrive $0xFFFF  }
0xa0: {  	p0 =	sne.s32 s2, $0x0;
	s0 =	rddreg [dreg:$0x3]  }
0xa1: {  	s0 =	sadd.s32 @!p0 $0x100000, s0  }
0xa2: {  	[sflag:s0] =	ssyncadd.tile.s32 @!p0 $0x1;
	_ =	shalt  }
.Lfunc_end2:
_tile_overlayer_lowered:
.L_overlay_start_2:
0xa3: {  	(tag) =	ssettag $0x2  }
0xa4: {  	s0 =	rddreg [dreg:$0x0];
	s2 =	stileid.u32  }
0xa5: {  	s1 =	rddreg [dreg:$0x1];
	p0 =	sne.s32 s2, $0x0  }
0xa6: {  	s3 =	rddreg [dreg:$0x2];
	[bflag:$0x3] =	sbarrier.arrive $0xFFFF;
	s2 =	simm.s32 @!p0 $0x1C04  }
0xa7: {  	[timem:s3], [sflag:s2] =	dma.local @!p0 [hbm:s0], s1  }
0xa8: {  	s0 =	simm.s32 @!p0 $0x4  }
0xa9: {  	_ =	swait.ge @!p0 [sflag:s0], s1  }
0xaa: {  	s1 =	ssub.s32 @!p0 $0x0, s1;
	[sflag:s0] =	ssyncset.done @!p0 $0x0  }
0xab: {  	[sflag:s0] =	ssyncadd.s32 @!p0 s1  }
0xac: {  	[bflag:$0x3] =	sbarrier.arrive $0xFFFF  }
0xad: {  	_ =	shalt  }

</sc_bundles>
